<compile_context>
chip_gen: v7x
topology: tpu7x:2x2x1
jax: 0.10.2.dev20260603
libtpu: 0.0.44.dev20260713+nightly
codegen_flags: <defaults>
</compile_context>

<pallas_src>
import functools

import jax
import jax.numpy as jnp
from jax import lax
from jax.experimental import pallas as pl
from jax.experimental.pallas import tpu as pltpu
from jax.experimental.pallas import tpu_sc as plsc

_MAX_CHARGE = 10
_D = 128
_N_SYS = 4096
_N_ATOMS = 524288

_N_SUB = 16
_CHUNK = 128
_N0 = 129
_N1 = 127
_NMAX = max(_N0, _N1)
assert _N_SUB * (_N0 + _N1) * _CHUNK == _N_ATOMS

_LOOKAHEAD = 2
_NBUF = 4


def _mlp_body(charge_ref, spin_ref, ct_ref, st_ref, w1_ref, b1_ref,
              w2_ref, b2_ref, out_ref):
    n_charge = 2 * _MAX_CHARGE + 1
    n_spin = 10
    charge = charge_ref[:].astype(jnp.int32)
    spin = spin_ref[:].astype(jnp.int32)

    iota_c = lax.broadcasted_iota(jnp.int32, (_N_SYS, n_charge), 1)
    onehot_c = (charge + _MAX_CHARGE == iota_c).astype(jnp.float32)
    c_emb = jnp.dot(onehot_c, ct_ref[:], preferred_element_type=jnp.float32)

    iota_s = lax.broadcasted_iota(jnp.int32, (_N_SYS, n_spin), 1)
    onehot_s = (spin - 1 == iota_s).astype(jnp.float32)
    s_emb = jnp.dot(onehot_s, st_ref[:], preferred_element_type=jnp.float32)

    h = (jnp.dot(c_emb, w1_ref[0:_D, :], preferred_element_type=jnp.float32)
         + jnp.dot(s_emb, w1_ref[_D:2 * _D, :],
                   preferred_element_type=jnp.float32)
         + b1_ref[:])
    h = h * jax.nn.sigmoid(h)
    out_ref[:] = (jnp.dot(h, w2_ref[:], preferred_element_type=jnp.float32)
                  + b2_ref[:])


_mlp = pl.pallas_call(
    _mlp_body,
    out_shape=jax.ShapeDtypeStruct((_N_SYS, _D), jnp.float32),
)


def _gather_body(table_hbm, idx_hbm, out_hbm, table_sp, idx_v, rows_v, *sems):
    gsems = sems[:_NBUF]
    ssems = sems[_NBUF:]
    cid = lax.axis_index("c")
    sid = lax.axis_index("s")

    n = jnp.where(cid == 0, _N0, _N1)
    base = jnp.where(cid == 0, sid * (_N0 * _CHUNK),
                     _N_SUB * (_N0 * _CHUNK) + sid * (_N1 * _CHUNK))

    rows_per_tile = _N_SYS // _N_SUB
    stage = []
    for k in range(rows_per_tile // _CHUNK):
        off = sid * rows_per_tile + k * _CHUNK
        stage.append(pltpu.make_async_copy(table_hbm.at[pl.ds(off, _CHUNK)],
                                           rows_v.at[k], gsems[k]))
        stage[-1].start()

    @pl.when(cid == 0)
    def _():
        pltpu.sync_copy(idx_hbm.at[pl.ds(base, _N0 * _CHUNK)],
                        idx_v.at[pl.ds(0, _N0 * _CHUNK)])

    @pl.when(cid == 1)
    def _():
        pltpu.sync_copy(idx_hbm.at[pl.ds(base, _N1 * _CHUNK)],
                        idx_v.at[pl.ds(0, _N1 * _CHUNK)])

    for k in range(rows_per_tile // _CHUNK):
        off = sid * rows_per_tile + k * _CHUNK
        stage[k].wait()
        pltpu.sync_copy(rows_v.at[k], table_sp.at[pl.ds(off, _CHUNK)])
    plsc.subcore_barrier()

    def g_copy(j, b):
        return pltpu.make_async_copy(
            table_sp.at[idx_v.at[pl.ds(j * _CHUNK, _CHUNK)]],
            rows_v.at[b], gsems[b])

    def s_copy(j, b):
        return pltpu.make_async_copy(
            rows_v.at[b], out_hbm.at[pl.ds(base + j * _CHUNK, _CHUNK)],
            ssems[b])

    for b in range(_LOOKAHEAD):
        g_copy(b, b).start()

    def step(j, carry):
        nxt = j + _LOOKAHEAD
        prev = nxt - _NBUF

        @pl.when(prev >= 0)
        def _():
            for b in range(_NBUF):
                @pl.when(prev % _NBUF == b)
                def _():
                    s_copy(prev, b).wait()

        @pl.when(nxt < n)
        def _():
            for b in range(_NBUF):
                @pl.when(nxt % _NBUF == b)
                def _():
                    g_copy(nxt, b).start()

        for b in range(_NBUF):
            @pl.when(j % _NBUF == b)
            def _():
                g_copy(j, b).wait()
                s_copy(j, b).start()
        return carry

    lax.fori_loop(0, n, step, 0)

    def drain(j, carry):
        for b in range(_NBUF):
            @pl.when(j % _NBUF == b)
            def _():
                s_copy(j, b).wait()
        return carry

    lax.fori_loop(n - (_NBUF - _LOOKAHEAD), n, drain, 0)


@functools.cache
def _make_gather():
    return pl.kernel(
        _gather_body,
        out_type=jax.ShapeDtypeStruct((_N_ATOMS, _D), jnp.float32),
        mesh=plsc.VectorSubcoreMesh(core_axis_name="c", subcore_axis_name="s"),
        scratch_types=(
            [pltpu.VMEM_SHARED((_N_SYS, _D), jnp.float32),
             pltpu.VMEM((_NMAX * _CHUNK,), jnp.int32),
             pltpu.VMEM((_NBUF, _CHUNK, _D), jnp.float32)]
            + [pltpu.SemaphoreType.DMA] * (2 * _NBUF)
        ),
    )


def kernel(charge, spin, system_indices, charge_table, spin_table,
           W1, b1, W2, b2):
    charge2 = charge.astype(jnp.int8).reshape(_N_SYS, 1)
    spin2 = spin.astype(jnp.int8).reshape(_N_SYS, 1)
    b1r = b1.reshape(1, _D)
    b2r = b2.reshape(1, _D)
    system_emb = _mlp(charge2, spin2, charge_table, spin_table, W1, b1r,
                      W2, b2r)
    return _make_gather()(system_emb, system_indices)

# --- scband reference (transcript-rebuilt; emitter-appended) ---
"""Pipeline reference for scband-system-conditioning-embedding-11098195492929 (READ-ONLY COPY).

The authoritative reference and input builder live on the scoring server;
editing this copy changes nothing except your own understanding.
"""

import jax, jax.numpy as jnp
import numpy as np

MAX_CHARGE = 10
MAX_SPIN = 10
D_OUT = 128
N_SYS = 4096
N_ATOMS = 524288


def setup_inputs(seed: int = 0) -> dict:
    key = jax.random.key(seed)
    ks = jax.random.split(key, 8)
    charge = jax.random.randint(ks[0], (N_SYS,), 0, 11, dtype=jnp.int32)
    spin = jnp.ones((N_SYS,), dtype=jnp.int32)
    system_indices = jnp.sort(jax.random.randint(ks[1], (N_ATOMS,), 0, N_SYS, dtype=jnp.int32))
    charge_table = jax.random.normal(ks[2], (2 * MAX_CHARGE + 1, D_OUT), dtype=jnp.float32) * 0.02
    spin_table = jax.random.normal(ks[3], (MAX_SPIN, D_OUT), dtype=jnp.float32) * 0.02
    W1 = jax.random.normal(ks[4], (2 * D_OUT, D_OUT), dtype=jnp.float32) * 0.05
    b1 = jnp.zeros((D_OUT,), dtype=jnp.float32)
    W2 = jax.random.normal(ks[5], (D_OUT, D_OUT), dtype=jnp.float32) * 0.05
    b2 = jnp.zeros((D_OUT,), dtype=jnp.float32)
    return {
        "charge": charge,
        "spin": spin,
        "system_indices": system_indices,
        "charge_table": charge_table,
        "spin_table": spin_table,
        "W1": W1,
        "b1": b1,
        "W2": W2,
        "b2": b2,
    }


def reference(charge, spin, system_indices, charge_table, spin_table, W1, b1, W2, b2):
    # embedding lookups (gather)
    c_emb = jnp.take(charge_table, charge + MAX_CHARGE, axis=0)   # [n_systems, d]
    s_emb = jnp.take(spin_table, spin - 1, axis=0)                # [n_systems, d]
    # project: Linear(2d -> d) -> SiLU -> Linear(d -> d) (gate)
    h = jnp.concatenate([c_emb, s_emb], axis=-1)
    h = jax.nn.silu(h @ W1 + b1)
    system_emb = h @ W2 + b2                                       # [n_systems, d]
    # broadcast per-system embedding to atoms via gather
    return system_emb[system_indices]                              # [n_atoms, d]

if __name__ == "__main__":
    import jax
    _d = setup_inputs()
    print(jax.jit(kernel)(*tuple(_d.values())))

</pallas_src>

<mosaic_0001>
#map = affine_map<(d0, d1) -> (0, 0)>
#map1 = affine_map<(d0, d1) -> (0)>
module attributes {stable_mosaic.version = 14 : i64} {
  func.func @_gather_body(%arg0: i32, %arg1: i32, %arg2: memref<4096x128xf32, #tpu.memory_space<hbm>>, %arg3: memref<524288xi32, #tpu.memory_space<hbm>>, %arg4: memref<524288x128xf32, #tpu.memory_space<hbm>>, %arg5: memref<4096x128xf32, #tpu.memory_space<vmem_shared>>, %arg6: memref<16512xi32, #tpu.memory_space<vmem>>, %arg7: memref<4x128x128xf32, #tpu.memory_space<vmem>>, %arg8: memref<!tpu.dma_semaphore, #tpu.memory_space<semaphore_mem>>, %arg9: memref<!tpu.dma_semaphore, #tpu.memory_space<semaphore_mem>>, %arg10: memref<!tpu.dma_semaphore, #tpu.memory_space<semaphore_mem>>, %arg11: memref<!tpu.dma_semaphore, #tpu.memory_space<semaphore_mem>>, %arg12: memref<!tpu.dma_semaphore, #tpu.memory_space<semaphore_mem>>, %arg13: memref<!tpu.dma_semaphore, #tpu.memory_space<semaphore_mem>>, %arg14: memref<!tpu.dma_semaphore, #tpu.memory_space<semaphore_mem>>, %arg15: memref<!tpu.dma_semaphore, #tpu.memory_space<semaphore_mem>>) attributes {dimension_semantics = [#tpu.dimension_semantics<core_parallel>, #tpu.dimension_semantics<subcore_parallel>], iteration_bounds = array<i64: 2, 16>, scalar_prefetch = 0 : i64, scratch_operands = 11 : i64, tpu.core_type = #tpu.core_type<sc_vector_subcore>, window_params = [{transform_indices = #map}, {transform_indices = #map1}, {transform_indices = #map}]} {
    %eq3A = arith.constant 0 : i32
    %eq3A_0 = arith.cmpi eq, %arg0, %eq3A : i32
    %jit3A = arith.constant 129 : i32
    %jit3A_1 = arith.constant 127 : i32
    %select_n3A = arith.select %eq3A_0, %jit3A, %jit3A_1 : i32
    %eq3A_2 = arith.constant 0 : i32
    %eq3A_3 = arith.cmpi eq, %arg0, %eq3A_2 : i32
    %mul3A = arith.constant 16512 : i32
    %mul3A_4 = arith.muli %arg1, %mul3A : i32
    %mul3A_5 = arith.constant 16256 : i32
    %mul3A_6 = arith.muli %arg1, %mul3A_5 : i32
    %add3A = arith.constant 264192 : i32
    %add3A_7 = arith.addi %add3A, %mul3A_6 : i32
    %select_n3A_8 = arith.select %eq3A_3, %mul3A_4, %add3A_7 : i32
    %mul3A_9 = arith.constant 256 : i32
    %mul3A_10 = arith.muli %arg1, %mul3A_9 : i32
    %add3A_11 = arith.constant 0 : i32
    %add3A_12 = arith.addi %mul3A_10, %add3A_11 : i32
    %dma_start3A = arith.constant 0 : i32
    %dma_start3A_13 = arith.constant 0 : i32
    %dma_start3A_14 = arith.constant 0 : i32
    %dma_start3A_15 = tpu.memref_slice %arg7[%dma_start3A, %dma_start3A_13, %dma_start3A_14] : memref<4x128x128xf32, #tpu.memory_space<vmem>> -> memref<1x128x128xf32, #tpu.memory_space<vmem>>
    %dma_start3A_16 = tpu.memref_squeeze %dma_start3A_15 : memref<1x128x128xf32, #tpu.memory_space<vmem>> -> memref<128x128xf32, #tpu.memory_space<vmem>>
    %dma_start3A_17 = arith.constant 0 : i32
    %dma_start3A_18 = tpu.memref_slice %arg2[%add3A_12, %dma_start3A_17] : memref<4096x128xf32, #tpu.memory_space<hbm>> -> memref<128x128xf32, #tpu.memory_space<hbm>>
    %dma_start3A_19 = arith.constant 0 : i32
    %dma_start3A_20 = arith.constant 0 : i32
    %dma_start3A_21 = tpu.memref_slice %arg7[%dma_start3A, %dma_start3A_19, %dma_start3A_20] : memref<4x128x128xf32, #tpu.memory_space<vmem>> -> memref<1x128x128xf32, #tpu.memory_space<vmem>>
    %dma_start3A_22 = tpu.memref_squeeze %dma_start3A_21 : memref<1x128x128xf32, #tpu.memory_space<vmem>> -> memref<128x128xf32, #tpu.memory_space<vmem>>
    %dma_start3A_23 = arith.constant 0 : i32
    %dma_start3A_24 = tpu.memref_slice %arg2[%add3A_12, %dma_start3A_23] : memref<4096x128xf32, #tpu.memory_space<hbm>> -> memref<128x128xf32, #tpu.memory_space<hbm>>
    tpu.enqueue_dma source(%dma_start3A_24 : memref<128x128xf32, #tpu.memory_space<hbm>>) target(%dma_start3A_22 : memref<128x128xf32, #tpu.memory_space<vmem>>) target_semaphore(%arg8 : memref<!tpu.dma_semaphore, #tpu.memory_space<semaphore_mem>>)
    %mul3A_25 = arith.constant 256 : i32
    %mul3A_26 = arith.muli %arg1, %mul3A_25 : i32
    %add3A_27 = arith.constant 128 : i32
    %add3A_28 = arith.addi %mul3A_26, %add3A_27 : i32
    %dma_start3A_29 = arith.constant 1 : i32
    %dma_start3A_30 = arith.constant 0 : i32
    %dma_start3A_31 = arith.constant 0 : i32
    %dma_start3A_32 = tpu.memref_slice %arg7[%dma_start3A_29, %dma_start3A_30, %dma_start3A_31] : memref<4x128x128xf32, #tpu.memory_space<vmem>> -> memref<1x128x128xf32, #tpu.memory_space<vmem>>
    %dma_start3A_33 = tpu.memref_squeeze %dma_start3A_32 : memref<1x128x128xf32, #tpu.memory_space<vmem>> -> memref<128x128xf32, #tpu.memory_space<vmem>>
    %dma_start3A_34 = arith.constant 0 : i32
    %dma_start3A_35 = tpu.memref_slice %arg2[%add3A_28, %dma_start3A_34] : memref<4096x128xf32, #tpu.memory_space<hbm>> -> memref<128x128xf32, #tpu.memory_space<hbm>>
    %dma_start3A_36 = arith.constant 0 : i32
    %dma_start3A_37 = arith.constant 0 : i32
    %dma_start3A_38 = tpu.memref_slice %arg7[%dma_start3A_29, %dma_start3A_36, %dma_start3A_37] : memref<4x128x128xf32, #tpu.memory_space<vmem>> -> memref<1x128x128xf32, #tpu.memory_space<vmem>>
    %dma_start3A_39 = tpu.memref_squeeze %dma_start3A_38 : memref<1x128x128xf32, #tpu.memory_space<vmem>> -> memref<128x128xf32, #tpu.memory_space<vmem>>
    %dma_start3A_40 = arith.constant 0 : i32
    %dma_start3A_41 = tpu.memref_slice %arg2[%add3A_28, %dma_start3A_40] : memref<4096x128xf32, #tpu.memory_space<hbm>> -> memref<128x128xf32, #tpu.memory_space<hbm>>
    tpu.enqueue_dma source(%dma_start3A_41 : memref<128x128xf32, #tpu.memory_space<hbm>>) target(%dma_start3A_39 : memref<128x128xf32, #tpu.memory_space<vmem>>) target_semaphore(%arg9 : memref<!tpu.dma_semaphore, #tpu.memory_space<semaphore_mem>>)
    %eq3A_42 = arith.constant 0 : i32
    %eq3A_43 = arith.cmpi eq, %arg0, %eq3A_42 : i32
    %convert_element_type3A = arith.extui %eq3A_43 : i1 to i32
    %cond3A = arith.constant 0 : i32
    %cond3A_44 = arith.cmpi ne, %convert_element_type3A, %cond3A : i32
    scf.if %cond3A_44 {
      "tpu.region"() ({
        %run_scoped3A_123 = tpu.sem_alloc : memref<!tpu.dma_semaphore, #tpu.memory_space<semaphore_mem>>
        %dma_start3A_124 = arith.constant 0 : i32
        %dma_start3A_125 = tpu.memref_slice %arg6[%dma_start3A_124] : memref<16512xi32, #tpu.memory_space<vmem>> -> memref<16512xi32, #tpu.memory_space<vmem>>
        %dma_start3A_126 = tpu.memref_slice %arg3[%select_n3A_8] : memref<524288xi32, #tpu.memory_space<hbm>> -> memref<16512xi32, #tpu.memory_space<hbm>>
        %dma_start3A_127 = arith.constant 0 : i32
        %dma_start3A_128 = tpu.memref_slice %arg6[%dma_start3A_127] : memref<16512xi32, #tpu.memory_space<vmem>> -> memref<16512xi32, #tpu.memory_space<vmem>>
        %dma_start3A_129 = tpu.memref_slice %arg3[%select_n3A_8] : memref<524288xi32, #tpu.memory_space<hbm>> -> memref<16512xi32, #tpu.memory_space<hbm>>
        tpu.enqueue_dma source(%dma_start3A_129 : memref<16512xi32, #tpu.memory_space<hbm>>) target(%dma_start3A_128 : memref<16512xi32, #tpu.memory_space<vmem>>) target_semaphore(%run_scoped3A_123 : memref<!tpu.dma_semaphore, #tpu.memory_space<semaphore_mem>>)
        %dma_wait3A_130 = arith.constant 0 : i32
        %dma_wait3A_131 = tpu.memref_slice %arg6[%dma_wait3A_130] : memref<16512xi32, #tpu.memory_space<vmem>> -> memref<16512xi32, #tpu.memory_space<vmem>>
        %dma_wait3A_132 = tpu.memref_slice %arg3[%select_n3A_8] : memref<524288xi32, #tpu.memory_space<hbm>> -> memref<16512xi32, #tpu.memory_space<hbm>>
        %dma_wait3A_133 = arith.constant 0 : i32
        %dma_wait3A_134 = tpu.memref_slice %arg6[%dma_wait3A_133] : memref<16512xi32, #tpu.memory_space<vmem>> -> memref<16512xi32, #tpu.memory_space<vmem>>
        %dma_wait3A_135 = tpu.memref_slice %arg3[%select_n3A_8] : memref<524288xi32, #tpu.memory_space<hbm>> -> memref<16512xi32, #tpu.memory_space<hbm>>
        tpu.wait_dma2 semaphore(%run_scoped3A_123 : memref<!tpu.dma_semaphore, #tpu.memory_space<semaphore_mem>>) src(%dma_wait3A_135 : memref<16512xi32, #tpu.memory_space<hbm>>) dst(%dma_wait3A_134 : memref<16512xi32, #tpu.memory_space<vmem>>)
        tpu.yield
      }) : () -> ()
    } else {
    }
    %eq3A_45 = arith.constant 1 : i32
    %eq3A_46 = arith.cmpi eq, %arg0, %eq3A_45 : i32
    %convert_element_type3A_47 = arith.extui %eq3A_46 : i1 to i32
    %cond3A_48 = arith.constant 0 : i32
    %cond3A_49 = arith.cmpi ne, %convert_element_type3A_47, %cond3A_48 : i32
    scf.if %cond3A_49 {
      "tpu.region"() ({
        %run_scoped3A_123 = tpu.sem_alloc : memref<!tpu.dma_semaphore, #tpu.memory_space<semaphore_mem>>
        %dma_start3A_124 = arith.constant 0 : i32
        %dma_start3A_125 = tpu.memref_slice %arg6[%dma_start3A_124] : memref<16512xi32, #tpu.memory_space<vmem>> -> memref<16256xi32, #tpu.memory_space<vmem>>
        %dma_start3A_126 = tpu.memref_slice %arg3[%select_n3A_8] : memref<524288xi32, #tpu.memory_space<hbm>> -> memref<16256xi32, #tpu.memory_space<hbm>>
        %dma_start3A_127 = arith.constant 0 : i32
        %dma_start3A_128 = tpu.memref_slice %arg6[%dma_start3A_127] : memref<16512xi32, #tpu.memory_space<vmem>> -> memref<16256xi32, #tpu.memory_space<vmem>>
        %dma_start3A_129 = tpu.memref_slice %arg3[%select_n3A_8] : memref<524288xi32, #tpu.memory_space<hbm>> -> memref<16256xi32, #tpu.memory_space<hbm>>
        tpu.enqueue_dma source(%dma_start3A_129 : memref<16256xi32, #tpu.memory_space<hbm>>) target(%dma_start3A_128 : memref<16256xi32, #tpu.memory_space<vmem>>) target_semaphore(%run_scoped3A_123 : memref<!tpu.dma_semaphore, #tpu.memory_space<semaphore_mem>>)
        %dma_wait3A_130 = arith.constant 0 : i32
        %dma_wait3A_131 = tpu.memref_slice %arg6[%dma_wait3A_130] : memref<16512xi32, #tpu.memory_space<vmem>> -> memref<16256xi32, #tpu.memory_space<vmem>>
        %dma_wait3A_132 = tpu.memref_slice %arg3[%select_n3A_8] : memref<524288xi32, #tpu.memory_space<hbm>> -> memref<16256xi32, #tpu.memory_space<hbm>>
        %dma_wait3A_133 = arith.constant 0 : i32
        %dma_wait3A_134 = tpu.memref_slice %arg6[%dma_wait3A_133] : memref<16512xi32, #tpu.memory_space<vmem>> -> memref<16256xi32, #tpu.memory_space<vmem>>
        %dma_wait3A_135 = tpu.memref_slice %arg3[%select_n3A_8] : memref<524288xi32, #tpu.memory_space<hbm>> -> memref<16256xi32, #tpu.memory_space<hbm>>
        tpu.wait_dma2 semaphore(%run_scoped3A_123 : memref<!tpu.dma_semaphore, #tpu.memory_space<semaphore_mem>>) src(%dma_wait3A_135 : memref<16256xi32, #tpu.memory_space<hbm>>) dst(%dma_wait3A_134 : memref<16256xi32, #tpu.memory_space<vmem>>)
        tpu.yield
      }) : () -> ()
    } else {
    }
    %mul3A_50 = arith.constant 256 : i32
    %mul3A_51 = arith.muli %arg1, %mul3A_50 : i32
    %add3A_52 = arith.constant 0 : i32
    %add3A_53 = arith.addi %mul3A_51, %add3A_52 : i32
    %dma_wait3A = arith.constant 0 : i32
    %dma_wait3A_54 = arith.constant 0 : i32
    %dma_wait3A_55 = arith.constant 0 : i32
    %dma_wait3A_56 = tpu.memref_slice %arg7[%dma_wait3A, %dma_wait3A_54, %dma_wait3A_55] : memref<4x128x128xf32, #tpu.memory_space<vmem>> -> memref<1x128x128xf32, #tpu.memory_space<vmem>>
    %dma_wait3A_57 = tpu.memref_squeeze %dma_wait3A_56 : memref<1x128x128xf32, #tpu.memory_space<vmem>> -> memref<128x128xf32, #tpu.memory_space<vmem>>
    %dma_wait3A_58 = arith.constant 0 : i32
    %dma_wait3A_59 = tpu.memref_slice %arg2[%add3A_12, %dma_wait3A_58] : memref<4096x128xf32, #tpu.memory_space<hbm>> -> memref<128x128xf32, #tpu.memory_space<hbm>>
    %dma_wait3A_60 = arith.constant 0 : i32
    %dma_wait3A_61 = arith.constant 0 : i32
    %dma_wait3A_62 = tpu.memref_slice %arg7[%dma_wait3A, %dma_wait3A_60, %dma_wait3A_61] : memref<4x128x128xf32, #tpu.memory_space<vmem>> -> memref<1x128x128xf32, #tpu.memory_space<vmem>>
    %dma_wait3A_63 = tpu.memref_squeeze %dma_wait3A_62 : memref<1x128x128xf32, #tpu.memory_space<vmem>> -> memref<128x128xf32, #tpu.memory_space<vmem>>
    %dma_wait3A_64 = arith.constant 0 : i32
    %dma_wait3A_65 = tpu.memref_slice %arg2[%add3A_12, %dma_wait3A_64] : memref<4096x128xf32, #tpu.memory_space<hbm>> -> memref<128x128xf32, #tpu.memory_space<hbm>>
    tpu.wait_dma2 semaphore(%arg8 : memref<!tpu.dma_semaphore, #tpu.memory_space<semaphore_mem>>) src(%dma_wait3A_65 : memref<128x128xf32, #tpu.memory_space<hbm>>) dst(%dma_wait3A_63 : memref<128x128xf32, #tpu.memory_space<vmem>>)
    %run_scoped3A = arith.constant 0 : i32
    "tpu.region"() ({
      %run_scoped3A_123 = tpu.sem_alloc : memref<!tpu.dma_semaphore, #tpu.memory_space<semaphore_mem>>
      %dma_start3A_124 = arith.constant 0 : i32
      %dma_start3A_125 = arith.constant 0 : i32
      %dma_start3A_126 = tpu.memref_slice %arg7[%run_scoped3A, %dma_start3A_124, %dma_start3A_125] : memref<4x128x128xf32, #tpu.memory_space<vmem>> -> memref<1x128x128xf32, #tpu.memory_space<vmem>>
      %dma_start3A_127 = tpu.memref_squeeze %dma_start3A_126 : memref<1x128x128xf32, #tpu.memory_space<vmem>> -> memref<128x128xf32, #tpu.memory_space<vmem>>
      %dma_start3A_128 = arith.constant 0 : i32
      %dma_start3A_129 = tpu.memref_slice %arg5[%add3A_53, %dma_start3A_128] : memref<4096x128xf32, #tpu.memory_space<vmem_shared>> -> memref<128x128xf32, #tpu.memory_space<vmem_shared>>
      %dma_start3A_130 = arith.constant 0 : i32
      %dma_start3A_131 = tpu.memref_slice %arg5[%add3A_53, %dma_start3A_130] : memref<4096x128xf32, #tpu.memory_space<vmem_shared>> -> memref<128x128xf32, #tpu.memory_space<vmem_shared>>
      %dma_start3A_132 = arith.constant 0 : i32
      %dma_start3A_133 = arith.constant 0 : i32
      %dma_start3A_134 = tpu.memref_slice %arg7[%run_scoped3A, %dma_start3A_132, %dma_start3A_133] : memref<4x128x128xf32, #tpu.memory_space<vmem>> -> memref<1x128x128xf32, #tpu.memory_space<vmem>>
      %dma_start3A_135 = tpu.memref_squeeze %dma_start3A_134 : memref<1x128x128xf32, #tpu.memory_space<vmem>> -> memref<128x128xf32, #tpu.memory_space<vmem>>
      tpu.enqueue_dma source(%dma_start3A_135 : memref<128x128xf32, #tpu.memory_space<vmem>>) target(%dma_start3A_131 : memref<128x128xf32, #tpu.memory_space<vmem_shared>>) target_semaphore(%run_scoped3A_123 : memref<!tpu.dma_semaphore, #tpu.memory_space<semaphore_mem>>)
      %dma_wait3A_136 = arith.constant 0 : i32
      %dma_wait3A_137 = arith.constant 0 : i32
      %dma_wait3A_138 = tpu.memref_slice %arg7[%run_scoped3A, %dma_wait3A_136, %dma_wait3A_137] : memref<4x128x128xf32, #tpu.memory_space<vmem>> -> memref<1x128x128xf32, #tpu.memory_space<vmem>>
      %dma_wait3A_139 = tpu.memref_squeeze %dma_wait3A_138 : memref<1x128x128xf32, #tpu.memory_space<vmem>> -> memref<128x128xf32, #tpu.memory_space<vmem>>
      %dma_wait3A_140 = arith.constant 0 : i32
      %dma_wait3A_141 = tpu.memref_slice %arg5[%add3A_53, %dma_wait3A_140] : memref<4096x128xf32, #tpu.memory_space<vmem_shared>> -> memref<128x128xf32, #tpu.memory_space<vmem_shared>>
      %dma_wait3A_142 = arith.constant 0 : i32
      %dma_wait3A_143 = tpu.memref_slice %arg5[%add3A_53, %dma_wait3A_142] : memref<4096x128xf32, #tpu.memory_space<vmem_shared>> -> memref<128x128xf32, #tpu.memory_space<vmem_shared>>
      %dma_wait3A_144 = arith.constant 0 : i32
      %dma_wait3A_145 = arith.constant 0 : i32
      %dma_wait3A_146 = tpu.memref_slice %arg7[%run_scoped3A, %dma_wait3A_144, %dma_wait3A_145] : memref<4x128x128xf32, #tpu.memory_space<vmem>> -> memref<1x128x128xf32, #tpu.memory_space<vmem>>
      %dma_wait3A_147 = tpu.memref_squeeze %dma_wait3A_146 : memref<1x128x128xf32, #tpu.memory_space<vmem>> -> memref<128x128xf32, #tpu.memory_space<vmem>>
      tpu.wait_dma2 semaphore(%run_scoped3A_123 : memref<!tpu.dma_semaphore, #tpu.memory_space<semaphore_mem>>) src(%dma_wait3A_147 : memref<128x128xf32, #tpu.memory_space<vmem>>) dst(%dma_wait3A_143 : memref<128x128xf32, #tpu.memory_space<vmem_shared>>)
      tpu.yield
    }) : () -> ()
    %mul3A_66 = arith.constant 256 : i32
    %mul3A_67 = arith.muli %arg1, %mul3A_66 : i32
    %add3A_68 = arith.constant 128 : i32
    %add3A_69 = arith.addi %mul3A_67, %add3A_68 : i32
    %dma_wait3A_70 = arith.constant 1 : i32
    %dma_wait3A_71 = arith.constant 0 : i32
    %dma_wait3A_72 = arith.constant 0 : i32
    %dma_wait3A_73 = tpu.memref_slice %arg7[%dma_wait3A_70, %dma_wait3A_71, %dma_wait3A_72] : memref<4x128x128xf32, #tpu.memory_space<vmem>> -> memref<1x128x128xf32, #tpu.memory_space<vmem>>
    %dma_wait3A_74 = tpu.memref_squeeze %dma_wait3A_73 : memref<1x128x128xf32, #tpu.memory_space<vmem>> -> memref<128x128xf32, #tpu.memory_space<vmem>>
    %dma_wait3A_75 = arith.constant 0 : i32
    %dma_wait3A_76 = tpu.memref_slice %arg2[%add3A_28, %dma_wait3A_75] : memref<4096x128xf32, #tpu.memory_space<hbm>> -> memref<128x128xf32, #tpu.memory_space<hbm>>
    %dma_wait3A_77 = arith.constant 0 : i32
    %dma_wait3A_78 = arith.constant 0 : i32
    %dma_wait3A_79 = tpu.memref_slice %arg7[%dma_wait3A_70, %dma_wait3A_77, %dma_wait3A_78] : memref<4x128x128xf32, #tpu.memory_space<vmem>> -> memref<1x128x128xf32, #tpu.memory_space<vmem>>
    %dma_wait3A_80 = tpu.memref_squeeze %dma_wait3A_79 : memref<1x128x128xf32, #tpu.memory_space<vmem>> -> memref<128x128xf32, #tpu.memory_space<vmem>>
    %dma_wait3A_81 = arith.constant 0 : i32
    %dma_wait3A_82 = tpu.memref_slice %arg2[%add3A_28, %dma_wait3A_81] : memref<4096x128xf32, #tpu.memory_space<hbm>> -> memref<128x128xf32, #tpu.memory_space<hbm>>
    tpu.wait_dma2 semaphore(%arg9 : memref<!tpu.dma_semaphore, #tpu.memory_space<semaphore_mem>>) src(%dma_wait3A_82 : memref<128x128xf32, #tpu.memory_space<hbm>>) dst(%dma_wait3A_80 : memref<128x128xf32, #tpu.memory_space<vmem>>)
    %run_scoped3A_83 = arith.constant 1 : i32
    "tpu.region"() ({
      %run_scoped3A_123 = tpu.sem_alloc : memref<!tpu.dma_semaphore, #tpu.memory_space<semaphore_mem>>
      %dma_start3A_124 = arith.constant 0 : i32
      %dma_start3A_125 = arith.constant 0 : i32
      %dma_start3A_126 = tpu.memref_slice %arg7[%run_scoped3A_83, %dma_start3A_124, %dma_start3A_125] : memref<4x128x128xf32, #tpu.memory_space<vmem>> -> memref<1x128x128xf32, #tpu.memory_space<vmem>>
      %dma_start3A_127 = tpu.memref_squeeze %dma_start3A_126 : memref<1x128x128xf32, #tpu.memory_space<vmem>> -> memref<128x128xf32, #tpu.memory_space<vmem>>
      %dma_start3A_128 = arith.constant 0 : i32
      %dma_start3A_129 = tpu.memref_slice %arg5[%add3A_69, %dma_start3A_128] : memref<4096x128xf32, #tpu.memory_space<vmem_shared>> -> memref<128x128xf32, #tpu.memory_space<vmem_shared>>
      %dma_start3A_130 = arith.constant 0 : i32
      %dma_start3A_131 = tpu.memref_slice %arg5[%add3A_69, %dma_start3A_130] : memref<4096x128xf32, #tpu.memory_space<vmem_shared>> -> memref<128x128xf32, #tpu.memory_space<vmem_shared>>
      %dma_start3A_132 = arith.constant 0 : i32
      %dma_start3A_133 = arith.constant 0 : i32
      %dma_start3A_134 = tpu.memref_slice %arg7[%run_scoped3A_83, %dma_start3A_132, %dma_start3A_133] : memref<4x128x128xf32, #tpu.memory_space<vmem>> -> memref<1x128x128xf32, #tpu.memory_space<vmem>>
      %dma_start3A_135 = tpu.memref_squeeze %dma_start3A_134 : memref<1x128x128xf32, #tpu.memory_space<vmem>> -> memref<128x128xf32, #tpu.memory_space<vmem>>
      tpu.enqueue_dma source(%dma_start3A_135 : memref<128x128xf32, #tpu.memory_space<vmem>>) target(%dma_start3A_131 : memref<128x128xf32, #tpu.memory_space<vmem_shared>>) target_semaphore(%run_scoped3A_123 : memref<!tpu.dma_semaphore, #tpu.memory_space<semaphore_mem>>)
      %dma_wait3A_136 = arith.constant 0 : i32
      %dma_wait3A_137 = arith.constant 0 : i32
      %dma_wait3A_138 = tpu.memref_slice %arg7[%run_scoped3A_83, %dma_wait3A_136, %dma_wait3A_137] : memref<4x128x128xf32, #tpu.memory_space<vmem>> -> memref<1x128x128xf32, #tpu.memory_space<vmem>>
      %dma_wait3A_139 = tpu.memref_squeeze %dma_wait3A_138 : memref<1x128x128xf32, #tpu.memory_space<vmem>> -> memref<128x128xf32, #tpu.memory_space<vmem>>
      %dma_wait3A_140 = arith.constant 0 : i32
      %dma_wait3A_141 = tpu.memref_slice %arg5[%add3A_69, %dma_wait3A_140] : memref<4096x128xf32, #tpu.memory_space<vmem_shared>> -> memref<128x128xf32, #tpu.memory_space<vmem_shared>>
      %dma_wait3A_142 = arith.constant 0 : i32
      %dma_wait3A_143 = tpu.memref_slice %arg5[%add3A_69, %dma_wait3A_142] : memref<4096x128xf32, #tpu.memory_space<vmem_shared>> -> memref<128x128xf32, #tpu.memory_space<vmem_shared>>
      %dma_wait3A_144 = arith.constant 0 : i32
      %dma_wait3A_145 = arith.constant 0 : i32
      %dma_wait3A_146 = tpu.memref_slice %arg7[%run_scoped3A_83, %dma_wait3A_144, %dma_wait3A_145] : memref<4x128x128xf32, #tpu.memory_space<vmem>> -> memref<1x128x128xf32, #tpu.memory_space<vmem>>
      %dma_wait3A_147 = tpu.memref_squeeze %dma_wait3A_146 : memref<1x128x128xf32, #tpu.memory_space<vmem>> -> memref<128x128xf32, #tpu.memory_space<vmem>>
      tpu.wait_dma2 semaphore(%run_scoped3A_123 : memref<!tpu.dma_semaphore, #tpu.memory_space<semaphore_mem>>) src(%dma_wait3A_147 : memref<128x128xf32, #tpu.memory_space<vmem>>) dst(%dma_wait3A_143 : memref<128x128xf32, #tpu.memory_space<vmem_shared>>)
      tpu.yield
    }) : () -> ()
    %barrier3A = arith.constant 0 : index
    tpu.barrier barrier_id(%barrier3A)
    %dma_start3A_84 = arith.constant 0 : i32
    %dma_start3A_85 = arith.constant 0 : i32
    %dma_start3A_86 = arith.constant 0 : i32
    %dma_start3A_87 = tpu.memref_slice %arg7[%dma_start3A_84, %dma_start3A_85, %dma_start3A_86] : memref<4x128x128xf32, #tpu.memory_space<vmem>> -> memref<1x128x128xf32, #tpu.memory_space<vmem>>
    %dma_start3A_88 = tpu.memref_squeeze %dma_start3A_87 : memref<1x128x128xf32, #tpu.memory_space<vmem>> -> memref<128x128xf32, #tpu.memory_space<vmem>>
    %dma_start3A_89 = arith.constant 0 : i32
    %dma_start3A_90 = tpu.memref_slice %arg6[%dma_start3A_89] : memref<16512xi32, #tpu.memory_space<vmem>> -> memref<128xi32, #tpu.memory_space<vmem>>
    %dma_start3A_91 = arith.constant 0 : i32
    %dma_start3A_92 = arith.constant 0 : i32
    %dma_start3A_93 = tpu.memref_slice %arg5[%dma_start3A_91, %dma_start3A_92] : memref<4096x128xf32, #tpu.memory_space<vmem_shared>> -> memref<4096x128xf32, #tpu.memory_space<vmem_shared>>
    tpu.enqueue_indirect_dma source(%dma_start3A_93 : memref<4096x128xf32, #tpu.memory_space<vmem_shared>>) target(%dma_start3A_88 : memref<128x128xf32, #tpu.memory_space<vmem>>) offsets(%dma_start3A_90 : memref<128xi32, #tpu.memory_space<vmem>>) semaphore(%arg8 : memref<!tpu.dma_semaphore, #tpu.memory_space<semaphore_mem>>)
    %dma_start3A_94 = arith.constant 1 : i32
    %dma_start3A_95 = arith.constant 0 : i32
    %dma_start3A_96 = arith.constant 0 : i32
    %dma_start3A_97 = tpu.memref_slice %arg7[%dma_start3A_94, %dma_start3A_95, %dma_start3A_96] : memref<4x128x128xf32, #tpu.memory_space<vmem>> -> memref<1x128x128xf32, #tpu.memory_space<vmem>>
    %dma_start3A_98 = tpu.memref_squeeze %dma_start3A_97 : memref<1x128x128xf32, #tpu.memory_space<vmem>> -> memref<128x128xf32, #tpu.memory_space<vmem>>
    %dma_start3A_99 = arith.constant 128 : i32
    %dma_start3A_100 = tpu.memref_slice %arg6[%dma_start3A_99] : memref<16512xi32, #tpu.memory_space<vmem>> -> memref<128xi32, #tpu.memory_space<vmem>>
    %dma_start3A_101 = arith.constant 0 : i32
    %dma_start3A_102 = arith.constant 0 : i32
    %dma_start3A_103 = tpu.memref_slice %arg5[%dma_start3A_101, %dma_start3A_102] : memref<4096x128xf32, #tpu.memory_space<vmem_shared>> -> memref<4096x128xf32, #tpu.memory_space<vmem_shared>>
    tpu.enqueue_indirect_dma source(%dma_start3A_103 : memref<4096x128xf32, #tpu.memory_space<vmem_shared>>) target(%dma_start3A_98 : memref<128x128xf32, #tpu.memory_space<vmem>>) offsets(%dma_start3A_100 : memref<128xi32, #tpu.memory_space<vmem>>) semaphore(%arg9 : memref<!tpu.dma_semaphore, #tpu.memory_space<semaphore_mem>>)
    %while3A = arith.constant 0 : i32
    %while3A_104 = arith.constant 0 : i32
    %while3A_105 = arith.subi %select_n3A, %while3A_104 : i32
    %while3A_106 = arith.addi %while3A_104, %while3A_105 : i32
    %while3A_107 = arith.constant 1 : i32
    %while3A_108 = arith.divsi %while3A_105, %while3A_107 : i32
    %while3A_109 = arith.muli %while3A_108, %while3A_107 : i32
    %while3A_110 = arith.addi %while3A_104, %while3A_109 : i32
    %while3A_111 = arith.constant 1 : i32
    scf.for %while3A_123 = %while3A_104 to %while3A_110 step %while3A_111  : i32 {
      %add3A_124 = arith.constant 2 : i32
      %add3A_125 = arith.addi %while3A_123, %add3A_124 : i32
      %sub3A_126 = arith.constant 4 : i32
      %sub3A_127 = arith.subi %add3A_125, %sub3A_126 : i32
      %ge3A = arith.constant 0 : i32
      %ge3A_128 = arith.cmpi sge, %sub3A_127, %ge3A : i32
      %convert_element_type3A_129 = arith.extui %ge3A_128 : i1 to i32
      %cond3A_130 = arith.constant 0 : i32
      %cond3A_131 = arith.cmpi ne, %convert_element_type3A_129, %cond3A_130 : i32
      scf.if %cond3A_131 {
        %jit3A_216 = arith.constant 4 : i32
        %eq3A_217 = arith.constant 0 : i32
        %eq3A_218 = arith.cmpi eq, %jit3A_216, %eq3A_217 : i32
        %jit3A_219 = arith.constant 1 : i32
        %select_n3A_220 = arith.select %eq3A_218, %jit3A_219, %jit3A_216 : i32
        %rem3A_221 = arith.remsi %sub3A_127, %select_n3A_220 : i32
        %ne3A_222 = arith.constant 0 : i32
        %ne3A_223 = arith.cmpi ne, %rem3A_221, %ne3A_222 : i32
        %lt3A_224 = arith.constant 0 : i32
        %lt3A_225 = arith.cmpi slt, %rem3A_221, %lt3A_224 : i32
        %lt3A_226 = arith.constant 0 : i32
        %lt3A_227 = arith.cmpi slt, %select_n3A_220, %lt3A_226 : i32
        %ne3A_228 = arith.xori %lt3A_225, %lt3A_227 : i1
        %and3A_229 = arith.andi %ne3A_228, %ne3A_223 : i1
        %add3A_230 = arith.addi %rem3A_221, %select_n3A_220 : i32
        %select_n3A_231 = arith.select %and3A_229, %add3A_230, %rem3A_221 : i32
        %eq3A_232 = arith.constant 0 : i32
        %eq3A_233 = arith.cmpi eq, %select_n3A_231, %eq3A_232 : i32
        %convert_element_type3A_234 = arith.extui %eq3A_233 : i1 to i32
        %cond3A_235 = arith.constant 0 : i32
        %cond3A_236 = arith.cmpi ne, %convert_element_type3A_234, %cond3A_235 : i32
        scf.if %cond3A_236 {
          %mul3A_300 = arith.constant 128 : i32
          %mul3A_301 = arith.muli %sub3A_127, %mul3A_300 : i32
          %add3A_302 = arith.addi %select_n3A_8, %mul3A_301 : i32
          %dma_wait3A_303 = arith.constant 0 : i32
          %dma_wait3A_304 = arith.constant 0 : i32
          %dma_wait3A_305 = arith.constant 0 : i32
          %dma_wait3A_306 = tpu.memref_slice %arg7[%dma_wait3A_303, %dma_wait3A_304, %dma_wait3A_305] : memref<4x128x128xf32, #tpu.memory_space<vmem>> -> memref<1x128x128xf32, #tpu.memory_space<vmem>>
          %dma_wait3A_307 = tpu.memref_squeeze %dma_wait3A_306 : memref<1x128x128xf32, #tpu.memory_space<vmem>> -> memref<128x128xf32, #tpu.memory_space<vmem>>
          %dma_wait3A_308 = arith.constant 0 : i32
          %dma_wait3A_309 = tpu.memref_slice %arg4[%add3A_302, %dma_wait3A_308] : memref<524288x128xf32, #tpu.memory_space<hbm>> -> memref<128x128xf32, #tpu.memory_space<hbm>>
          %dma_wait3A_310 = arith.constant 0 : i32
          %dma_wait3A_311 = tpu.memref_slice %arg4[%add3A_302, %dma_wait3A_310] : memref<524288x128xf32, #tpu.memory_space<hbm>> -> memref<128x128xf32, #tpu.memory_space<hbm>>
          %dma_wait3A_312 = arith.constant 0 : i32
          %dma_wait3A_313 = arith.constant 0 : i32
          %dma_wait3A_314 = tpu.memref_slice %arg7[%dma_wait3A_303, %dma_wait3A_312, %dma_wait3A_313] : memref<4x128x128xf32, #tpu.memory_space<vmem>> -> memref<1x128x128xf32, #tpu.memory_space<vmem>>
          %dma_wait3A_315 = tpu.memref_squeeze %dma_wait3A_314 : memref<1x128x128xf32, #tpu.memory_space<vmem>> -> memref<128x128xf32, #tpu.memory_space<vmem>>
          tpu.wait_dma2 semaphore(%arg12 : memref<!tpu.dma_semaphore, #tpu.memory_space<semaphore_mem>>) src(%dma_wait3A_315 : memref<128x128xf32, #tpu.memory_space<vmem>>) dst(%dma_wait3A_311 : memref<128x128xf32, #tpu.memory_space<hbm>>)
        } else {
        }
        %jit3A_237 = arith.constant 4 : i32
        %eq3A_238 = arith.constant 0 : i32
        %eq3A_239 = arith.cmpi eq, %jit3A_237, %eq3A_238 : i32
        %jit3A_240 = arith.constant 1 : i32
        %select_n3A_241 = arith.select %eq3A_239, %jit3A_240, %jit3A_237 : i32
        %rem3A_242 = arith.remsi %sub3A_127, %select_n3A_241 : i32
        %ne3A_243 = arith.constant 0 : i32
        %ne3A_244 = arith.cmpi ne, %rem3A_242, %ne3A_243 : i32
        %lt3A_245 = arith.constant 0 : i32
        %lt3A_246 = arith.cmpi slt, %rem3A_242, %lt3A_245 : i32
        %lt3A_247 = arith.constant 0 : i32
        %lt3A_248 = arith.cmpi slt, %select_n3A_241, %lt3A_247 : i32
        %ne3A_249 = arith.xori %lt3A_246, %lt3A_248 : i1
        %and3A_250 = arith.andi %ne3A_249, %ne3A_244 : i1
        %add3A_251 = arith.addi %rem3A_242, %select_n3A_241 : i32
        %select_n3A_252 = arith.select %and3A_250, %add3A_251, %rem3A_242 : i32
        %eq3A_253 = arith.constant 1 : i32
        %eq3A_254 = arith.cmpi eq, %select_n3A_252, %eq3A_253 : i32
        %convert_element_type3A_255 = arith.extui %eq3A_254 : i1 to i32
        %cond3A_256 = arith.constant 0 : i32
        %cond3A_257 = arith.cmpi ne, %convert_element_type3A_255, %cond3A_256 : i32
        scf.if %cond3A_257 {
          %mul3A_300 = arith.constant 128 : i32
          %mul3A_301 = arith.muli %sub3A_127, %mul3A_300 : i32
          %add3A_302 = arith.addi %select_n3A_8, %mul3A_301 : i32
          %dma_wait3A_303 = arith.constant 1 : i32
          %dma_wait3A_304 = arith.constant 0 : i32
          %dma_wait3A_305 = arith.constant 0 : i32
          %dma_wait3A_306 = tpu.memref_slice %arg7[%dma_wait3A_303, %dma_wait3A_304, %dma_wait3A_305] : memref<4x128x128xf32, #tpu.memory_space<vmem>> -> memref<1x128x128xf32, #tpu.memory_space<vmem>>
          %dma_wait3A_307 = tpu.memref_squeeze %dma_wait3A_306 : memref<1x128x128xf32, #tpu.memory_space<vmem>> -> memref<128x128xf32, #tpu.memory_space<vmem>>
          %dma_wait3A_308 = arith.constant 0 : i32
          %dma_wait3A_309 = tpu.memref_slice %arg4[%add3A_302, %dma_wait3A_308] : memref<524288x128xf32, #tpu.memory_space<hbm>> -> memref<128x128xf32, #tpu.memory_space<hbm>>
          %dma_wait3A_310 = arith.constant 0 : i32
          %dma_wait3A_311 = tpu.memref_slice %arg4[%add3A_302, %dma_wait3A_310] : memref<524288x128xf32, #tpu.memory_space<hbm>> -> memref<128x128xf32, #tpu.memory_space<hbm>>
          %dma_wait3A_312 = arith.constant 0 : i32
          %dma_wait3A_313 = arith.constant 0 : i32
          %dma_wait3A_314 = tpu.memref_slice %arg7[%dma_wait3A_303, %dma_wait3A_312, %dma_wait3A_313] : memref<4x128x128xf32, #tpu.memory_space<vmem>> -> memref<1x128x128xf32, #tpu.memory_space<vmem>>
          %dma_wait3A_315 = tpu.memref_squeeze %dma_wait3A_314 : memref<1x128x128xf32, #tpu.memory_space<vmem>> -> memref<128x128xf32, #tpu.memory_space<vmem>>
          tpu.wait_dma2 semaphore(%arg13 : memref<!tpu.dma_semaphore, #tpu.memory_space<semaphore_mem>>) src(%dma_wait3A_315 : memref<128x128xf32, #tpu.memory_space<vmem>>) dst(%dma_wait3A_311 : memref<128x128xf32, #tpu.memory_space<hbm>>)
        } else {
        }
        %jit3A_258 = arith.constant 4 : i32
        %eq3A_259 = arith.constant 0 : i32
        %eq3A_260 = arith.cmpi eq, %jit3A_258, %eq3A_259 : i32
        %jit3A_261 = arith.constant 1 : i32
        %select_n3A_262 = arith.select %eq3A_260, %jit3A_261, %jit3A_258 : i32
        %rem3A_263 = arith.remsi %sub3A_127, %select_n3A_262 : i32
        %ne3A_264 = arith.constant 0 : i32
        %ne3A_265 = arith.cmpi ne, %rem3A_263, %ne3A_264 : i32
        %lt3A_266 = arith.constant 0 : i32
        %lt3A_267 = arith.cmpi slt, %rem3A_263, %lt3A_266 : i32
        %lt3A_268 = arith.constant 0 : i32
        %lt3A_269 = arith.cmpi slt, %select_n3A_262, %lt3A_268 : i32
        %ne3A_270 = arith.xori %lt3A_267, %lt3A_269 : i1
        %and3A_271 = arith.andi %ne3A_270, %ne3A_265 : i1
        %add3A_272 = arith.addi %rem3A_263, %select_n3A_262 : i32
        %select_n3A_273 = arith.select %and3A_271, %add3A_272, %rem3A_263 : i32
        %eq3A_274 = arith.constant 2 : i32
        %eq3A_275 = arith.cmpi eq, %select_n3A_273, %eq3A_274 : i32
        %convert_element_type3A_276 = arith.extui %eq3A_275 : i1 to i32
        %cond3A_277 = arith.constant 0 : i32
        %cond3A_278 = arith.cmpi ne, %convert_element_type3A_276, %cond3A_277 : i32
        scf.if %cond3A_278 {
          %mul3A_300 = arith.constant 128 : i32
          %mul3A_301 = arith.muli %sub3A_127, %mul3A_300 : i32
          %add3A_302 = arith.addi %select_n3A_8, %mul3A_301 : i32
          %dma_wait3A_303 = arith.constant 2 : i32
          %dma_wait3A_304 = arith.constant 0 : i32
          %dma_wait3A_305 = arith.constant 0 : i32
          %dma_wait3A_306 = tpu.memref_slice %arg7[%dma_wait3A_303, %dma_wait3A_304, %dma_wait3A_305] : memref<4x128x128xf32, #tpu.memory_space<vmem>> -> memref<1x128x128xf32, #tpu.memory_space<vmem>>
          %dma_wait3A_307 = tpu.memref_squeeze %dma_wait3A_306 : memref<1x128x128xf32, #tpu.memory_space<vmem>> -> memref<128x128xf32, #tpu.memory_space<vmem>>
          %dma_wait3A_308 = arith.constant 0 : i32
          %dma_wait3A_309 = tpu.memref_slice %arg4[%add3A_302, %dma_wait3A_308] : memref<524288x128xf32, #tpu.memory_space<hbm>> -> memref<128x128xf32, #tpu.memory_space<hbm>>
          %dma_wait3A_310 = arith.constant 0 : i32
          %dma_wait3A_311 = tpu.memref_slice %arg4[%add3A_302, %dma_wait3A_310] : memref<524288x128xf32, #tpu.memory_space<hbm>> -> memref<128x128xf32, #tpu.memory_space<hbm>>
          %dma_wait3A_312 = arith.constant 0 : i32
          %dma_wait3A_313 = arith.constant 0 : i32
          %dma_wait3A_314 = tpu.memref_slice %arg7[%dma_wait3A_303, %dma_wait3A_312, %dma_wait3A_313] : memref<4x128x128xf32, #tpu.memory_space<vmem>> -> memref<1x128x128xf32, #tpu.memory_space<vmem>>
          %dma_wait3A_315 = tpu.memref_squeeze %dma_wait3A_314 : memref<1x128x128xf32, #tpu.memory_space<vmem>> -> memref<128x128xf32, #tpu.memory_space<vmem>>
          tpu.wait_dma2 semaphore(%arg14 : memref<!tpu.dma_semaphore, #tpu.memory_space<semaphore_mem>>) src(%dma_wait3A_315 : memref<128x128xf32, #tpu.memory_space<vmem>>) dst(%dma_wait3A_311 : memref<128x128xf32, #tpu.memory_space<hbm>>)
        } else {
        }
        %jit3A_279 = arith.constant 4 : i32
        %eq3A_280 = arith.constant 0 : i32
        %eq3A_281 = arith.cmpi eq, %jit3A_279, %eq3A_280 : i32
        %jit3A_282 = arith.constant 1 : i32
        %select_n3A_283 = arith.select %eq3A_281, %jit3A_282, %jit3A_279 : i32
        %rem3A_284 = arith.remsi %sub3A_127, %select_n3A_283 : i32
        %ne3A_285 = arith.constant 0 : i32
        %ne3A_286 = arith.cmpi ne, %rem3A_284, %ne3A_285 : i32
        %lt3A_287 = arith.constant 0 : i32
        %lt3A_288 = arith.cmpi slt, %rem3A_284, %lt3A_287 : i32
        %lt3A_289 = arith.constant 0 : i32
        %lt3A_290 = arith.cmpi slt, %select_n3A_283, %lt3A_289 : i32
        %ne3A_291 = arith.xori %lt3A_288, %lt3A_290 : i1
        %and3A_292 = arith.andi %ne3A_291, %ne3A_286 : i1
        %add3A_293 = arith.addi %rem3A_284, %select_n3A_283 : i32
        %select_n3A_294 = arith.select %and3A_292, %add3A_293, %rem3A_284 : i32
        %eq3A_295 = arith.constant 3 : i32
        %eq3A_296 = arith.cmpi eq, %select_n3A_294, %eq3A_295 : i32
        %convert_element_type3A_297 = arith.extui %eq3A_296 : i1 to i32
        %cond3A_298 = arith.constant 0 : i32
        %cond3A_299 = arith.cmpi ne, %convert_element_type3A_297, %cond3A_298 : i32
        scf.if %cond3A_299 {
          %mul3A_300 = arith.constant 128 : i32
          %mul3A_301 = arith.muli %sub3A_127, %mul3A_300 : i32
          %add3A_302 = arith.addi %select_n3A_8, %mul3A_301 : i32
          %dma_wait3A_303 = arith.constant 3 : i32
          %dma_wait3A_304 = arith.constant 0 : i32
          %dma_wait3A_305 = arith.constant 0 : i32
          %dma_wait3A_306 = tpu.memref_slice %arg7[%dma_wait3A_303, %dma_wait3A_304, %dma_wait3A_305] : memref<4x128x128xf32, #tpu.memory_space<vmem>> -> memref<1x128x128xf32, #tpu.memory_space<vmem>>
          %dma_wait3A_307 = tpu.memref_squeeze %dma_wait3A_306 : memref<1x128x128xf32, #tpu.memory_space<vmem>> -> memref<128x128xf32, #tpu.memory_space<vmem>>
          %dma_wait3A_308 = arith.constant 0 : i32
          %dma_wait3A_309 = tpu.memref_slice %arg4[%add3A_302, %dma_wait3A_308] : memref<524288x128xf32, #tpu.memory_space<hbm>> -> memref<128x128xf32, #tpu.memory_space<hbm>>
          %dma_wait3A_310 = arith.constant 0 : i32
          %dma_wait3A_311 = tpu.memref_slice %arg4[%add3A_302, %dma_wait3A_310] : memref<524288x128xf32, #tpu.memory_space<hbm>> -> memref<128x128xf32, #tpu.memory_space<hbm>>
          %dma_wait3A_312 = arith.constant 0 : i32
          %dma_wait3A_313 = arith.constant 0 : i32
          %dma_wait3A_314 = tpu.memref_slice %arg7[%dma_wait3A_303, %dma_wait3A_312, %dma_wait3A_313] : memref<4x128x128xf32, #tpu.memory_space<vmem>> -> memref<1x128x128xf32, #tpu.memory_space<vmem>>
          %dma_wait3A_315 = tpu.memref_squeeze %dma_wait3A_314 : memref<1x128x128xf32, #tpu.memory_space<vmem>> -> memref<128x128xf32, #tpu.memory_space<vmem>>
          tpu.wait_dma2 semaphore(%arg15 : memref<!tpu.dma_semaphore, #tpu.memory_space<semaphore_mem>>) src(%dma_wait3A_315 : memref<128x128xf32, #tpu.memory_space<vmem>>) dst(%dma_wait3A_311 : memref<128x128xf32, #tpu.memory_space<hbm>>)
        } else {
        }
      } else {
      }
      %lt3A = arith.cmpi slt, %add3A_125, %select_n3A : i32
      %convert_element_type3A_132 = arith.extui %lt3A : i1 to i32
      %cond3A_133 = arith.constant 0 : i32
      %cond3A_134 = arith.cmpi ne, %convert_element_type3A_132, %cond3A_133 : i32
      scf.if %cond3A_134 {
        %jit3A_216 = arith.constant 4 : i32
        %eq3A_217 = arith.constant 0 : i32
        %eq3A_218 = arith.cmpi eq, %jit3A_216, %eq3A_217 : i32
        %jit3A_219 = arith.constant 1 : i32
        %select_n3A_220 = arith.select %eq3A_218, %jit3A_219, %jit3A_216 : i32
        %rem3A_221 = arith.remsi %add3A_125, %select_n3A_220 : i32
        %ne3A_222 = arith.constant 0 : i32
        %ne3A_223 = arith.cmpi ne, %rem3A_221, %ne3A_222 : i32
        %lt3A_224 = arith.constant 0 : i32
        %lt3A_225 = arith.cmpi slt, %rem3A_221, %lt3A_224 : i32
        %lt3A_226 = arith.constant 0 : i32
        %lt3A_227 = arith.cmpi slt, %select_n3A_220, %lt3A_226 : i32
        %ne3A_228 = arith.xori %lt3A_225, %lt3A_227 : i1
        %and3A_229 = arith.andi %ne3A_228, %ne3A_223 : i1
        %add3A_230 = arith.addi %rem3A_221, %select_n3A_220 : i32
        %select_n3A_231 = arith.select %and3A_229, %add3A_230, %rem3A_221 : i32
        %eq3A_232 = arith.constant 0 : i32
        %eq3A_233 = arith.cmpi eq, %select_n3A_231, %eq3A_232 : i32
        %convert_element_type3A_234 = arith.extui %eq3A_233 : i1 to i32
        %cond3A_235 = arith.constant 0 : i32
        %cond3A_236 = arith.cmpi ne, %convert_element_type3A_234, %cond3A_235 : i32
        scf.if %cond3A_236 {
          %mul3A_300 = arith.constant 128 : i32
          %mul3A_301 = arith.muli %add3A_125, %mul3A_300 : i32
          %dma_start3A_302 = arith.constant 0 : i32
          %dma_start3A_303 = arith.constant 0 : i32
          %dma_start3A_304 = arith.constant 0 : i32
          %dma_start3A_305 = tpu.memref_slice %arg7[%dma_start3A_302, %dma_start3A_303, %dma_start3A_304] : memref<4x128x128xf32, #tpu.memory_space<vmem>> -> memref<1x128x128xf32, #tpu.memory_space<vmem>>
          %dma_start3A_306 = tpu.memref_squeeze %dma_start3A_305 : memref<1x128x128xf32, #tpu.memory_space<vmem>> -> memref<128x128xf32, #tpu.memory_space<vmem>>
          %dma_start3A_307 = tpu.memref_slice %arg6[%mul3A_301] : memref<16512xi32, #tpu.memory_space<vmem>> -> memref<128xi32, #tpu.memory_space<vmem>>
          %dma_start3A_308 = arith.constant 0 : i32
          %dma_start3A_309 = arith.constant 0 : i32
          %dma_start3A_310 = tpu.memref_slice %arg5[%dma_start3A_308, %dma_start3A_309] : memref<4096x128xf32, #tpu.memory_space<vmem_shared>> -> memref<4096x128xf32, #tpu.memory_space<vmem_shared>>
          tpu.enqueue_indirect_dma source(%dma_start3A_310 : memref<4096x128xf32, #tpu.memory_space<vmem_shared>>) target(%dma_start3A_306 : memref<128x128xf32, #tpu.memory_space<vmem>>) offsets(%dma_start3A_307 : memref<128xi32, #tpu.memory_space<vmem>>) semaphore(%arg8 : memref<!tpu.dma_semaphore, #tpu.memory_space<semaphore_mem>>)
        } else {
        }
        %jit3A_237 = arith.constant 4 : i32
        %eq3A_238 = arith.constant 0 : i32
        %eq3A_239 = arith.cmpi eq, %jit3A_237, %eq3A_238 : i32
        %jit3A_240 = arith.constant 1 : i32
        %select_n3A_241 = arith.select %eq3A_239, %jit3A_240, %jit3A_237 : i32
        %rem3A_242 = arith.remsi %add3A_125, %select_n3A_241 : i32
        %ne3A_243 = arith.constant 0 : i32
        %ne3A_244 = arith.cmpi ne, %rem3A_242, %ne3A_243 : i32
        %lt3A_245 = arith.constant 0 : i32
        %lt3A_246 = arith.cmpi slt, %rem3A_242, %lt3A_245 : i32
        %lt3A_247 = arith.constant 0 : i32
        %lt3A_248 = arith.cmpi slt, %select_n3A_241, %lt3A_247 : i32
        %ne3A_249 = arith.xori %lt3A_246, %lt3A_248 : i1
        %and3A_250 = arith.andi %ne3A_249, %ne3A_244 : i1
        %add3A_251 = arith.addi %rem3A_242, %select_n3A_241 : i32
        %select_n3A_252 = arith.select %and3A_250, %add3A_251, %rem3A_242 : i32
        %eq3A_253 = arith.constant 1 : i32
        %eq3A_254 = arith.cmpi eq, %select_n3A_252, %eq3A_253 : i32
        %convert_element_type3A_255 = arith.extui %eq3A_254 : i1 to i32
        %cond3A_256 = arith.constant 0 : i32
        %cond3A_257 = arith.cmpi ne, %convert_element_type3A_255, %cond3A_256 : i32
        scf.if %cond3A_257 {
          %mul3A_300 = arith.constant 128 : i32
          %mul3A_301 = arith.muli %add3A_125, %mul3A_300 : i32
          %dma_start3A_302 = arith.constant 1 : i32
          %dma_start3A_303 = arith.constant 0 : i32
          %dma_start3A_304 = arith.constant 0 : i32
          %dma_start3A_305 = tpu.memref_slice %arg7[%dma_start3A_302, %dma_start3A_303, %dma_start3A_304] : memref<4x128x128xf32, #tpu.memory_space<vmem>> -> memref<1x128x128xf32, #tpu.memory_space<vmem>>
          %dma_start3A_306 = tpu.memref_squeeze %dma_start3A_305 : memref<1x128x128xf32, #tpu.memory_space<vmem>> -> memref<128x128xf32, #tpu.memory_space<vmem>>
          %dma_start3A_307 = tpu.memref_slice %arg6[%mul3A_301] : memref<16512xi32, #tpu.memory_space<vmem>> -> memref<128xi32, #tpu.memory_space<vmem>>
          %dma_start3A_308 = arith.constant 0 : i32
          %dma_start3A_309 = arith.constant 0 : i32
          %dma_start3A_310 = tpu.memref_slice %arg5[%dma_start3A_308, %dma_start3A_309] : memref<4096x128xf32, #tpu.memory_space<vmem_shared>> -> memref<4096x128xf32, #tpu.memory_space<vmem_shared>>
          tpu.enqueue_indirect_dma source(%dma_start3A_310 : memref<4096x128xf32, #tpu.memory_space<vmem_shared>>) target(%dma_start3A_306 : memref<128x128xf32, #tpu.memory_space<vmem>>) offsets(%dma_start3A_307 : memref<128xi32, #tpu.memory_space<vmem>>) semaphore(%arg9 : memref<!tpu.dma_semaphore, #tpu.memory_space<semaphore_mem>>)
        } else {
        }
        %jit3A_258 = arith.constant 4 : i32
        %eq3A_259 = arith.constant 0 : i32
        %eq3A_260 = arith.cmpi eq, %jit3A_258, %eq3A_259 : i32
        %jit3A_261 = arith.constant 1 : i32
        %select_n3A_262 = arith.select %eq3A_260, %jit3A_261, %jit3A_258 : i32
        %rem3A_263 = arith.remsi %add3A_125, %select_n3A_262 : i32
        %ne3A_264 = arith.constant 0 : i32
        %ne3A_265 = arith.cmpi ne, %rem3A_263, %ne3A_264 : i32
        %lt3A_266 = arith.constant 0 : i32
        %lt3A_267 = arith.cmpi slt, %rem3A_263, %lt3A_266 : i32
        %lt3A_268 = arith.constant 0 : i32
        %lt3A_269 = arith.cmpi slt, %select_n3A_262, %lt3A_268 : i32
        %ne3A_270 = arith.xori %lt3A_267, %lt3A_269 : i1
        %and3A_271 = arith.andi %ne3A_270, %ne3A_265 : i1
        %add3A_272 = arith.addi %rem3A_263, %select_n3A_262 : i32
        %select_n3A_273 = arith.select %and3A_271, %add3A_272, %rem3A_263 : i32
        %eq3A_274 = arith.constant 2 : i32
        %eq3A_275 = arith.cmpi eq, %select_n3A_273, %eq3A_274 : i32
        %convert_element_type3A_276 = arith.extui %eq3A_275 : i1 to i32
        %cond3A_277 = arith.constant 0 : i32
        %cond3A_278 = arith.cmpi ne, %convert_element_type3A_276, %cond3A_277 : i32
        scf.if %cond3A_278 {
          %mul3A_300 = arith.constant 128 : i32
          %mul3A_301 = arith.muli %add3A_125, %mul3A_300 : i32
          %dma_start3A_302 = arith.constant 2 : i32
          %dma_start3A_303 = arith.constant 0 : i32
          %dma_start3A_304 = arith.constant 0 : i32
          %dma_start3A_305 = tpu.memref_slice %arg7[%dma_start3A_302, %dma_start3A_303, %dma_start3A_304] : memref<4x128x128xf32, #tpu.memory_space<vmem>> -> memref<1x128x128xf32, #tpu.memory_space<vmem>>
          %dma_start3A_306 = tpu.memref_squeeze %dma_start3A_305 : memref<1x128x128xf32, #tpu.memory_space<vmem>> -> memref<128x128xf32, #tpu.memory_space<vmem>>
          %dma_start3A_307 = tpu.memref_slice %arg6[%mul3A_301] : memref<16512xi32, #tpu.memory_space<vmem>> -> memref<128xi32, #tpu.memory_space<vmem>>
          %dma_start3A_308 = arith.constant 0 : i32
          %dma_start3A_309 = arith.constant 0 : i32
          %dma_start3A_310 = tpu.memref_slice %arg5[%dma_start3A_308, %dma_start3A_309] : memref<4096x128xf32, #tpu.memory_space<vmem_shared>> -> memref<4096x128xf32, #tpu.memory_space<vmem_shared>>
          tpu.enqueue_indirect_dma source(%dma_start3A_310 : memref<4096x128xf32, #tpu.memory_space<vmem_shared>>) target(%dma_start3A_306 : memref<128x128xf32, #tpu.memory_space<vmem>>) offsets(%dma_start3A_307 : memref<128xi32, #tpu.memory_space<vmem>>) semaphore(%arg10 : memref<!tpu.dma_semaphore, #tpu.memory_space<semaphore_mem>>)
        } else {
        }
        %jit3A_279 = arith.constant 4 : i32
        %eq3A_280 = arith.constant 0 : i32
        %eq3A_281 = arith.cmpi eq, %jit3A_279, %eq3A_280 : i32
        %jit3A_282 = arith.constant 1 : i32
        %select_n3A_283 = arith.select %eq3A_281, %jit3A_282, %jit3A_279 : i32
        %rem3A_284 = arith.remsi %add3A_125, %select_n3A_283 : i32
        %ne3A_285 = arith.constant 0 : i32
        %ne3A_286 = arith.cmpi ne, %rem3A_284, %ne3A_285 : i32
        %lt3A_287 = arith.constant 0 : i32
        %lt3A_288 = arith.cmpi slt, %rem3A_284, %lt3A_287 : i32
        %lt3A_289 = arith.constant 0 : i32
        %lt3A_290 = arith.cmpi slt, %select_n3A_283, %lt3A_289 : i32
        %ne3A_291 = arith.xori %lt3A_288, %lt3A_290 : i1
        %and3A_292 = arith.andi %ne3A_291, %ne3A_286 : i1
        %add3A_293 = arith.addi %rem3A_284, %select_n3A_283 : i32
        %select_n3A_294 = arith.select %and3A_292, %add3A_293, %rem3A_284 : i32
        %eq3A_295 = arith.constant 3 : i32
        %eq3A_296 = arith.cmpi eq, %select_n3A_294, %eq3A_295 : i32
        %convert_element_type3A_297 = arith.extui %eq3A_296 : i1 to i32
        %cond3A_298 = arith.constant 0 : i32
        %cond3A_299 = arith.cmpi ne, %convert_element_type3A_297, %cond3A_298 : i32
        scf.if %cond3A_299 {
          %mul3A_300 = arith.constant 128 : i32
          %mul3A_301 = arith.muli %add3A_125, %mul3A_300 : i32
          %dma_start3A_302 = arith.constant 3 : i32
          %dma_start3A_303 = arith.constant 0 : i32
          %dma_start3A_304 = arith.constant 0 : i32
          %dma_start3A_305 = tpu.memref_slice %arg7[%dma_start3A_302, %dma_start3A_303, %dma_start3A_304] : memref<4x128x128xf32, #tpu.memory_space<vmem>> -> memref<1x128x128xf32, #tpu.memory_space<vmem>>
          %dma_start3A_306 = tpu.memref_squeeze %dma_start3A_305 : memref<1x128x128xf32, #tpu.memory_space<vmem>> -> memref<128x128xf32, #tpu.memory_space<vmem>>
          %dma_start3A_307 = tpu.memref_slice %arg6[%mul3A_301] : memref<16512xi32, #tpu.memory_space<vmem>> -> memref<128xi32, #tpu.memory_space<vmem>>
          %dma_start3A_308 = arith.constant 0 : i32
          %dma_start3A_309 = arith.constant 0 : i32
          %dma_start3A_310 = tpu.memref_slice %arg5[%dma_start3A_308, %dma_start3A_309] : memref<4096x128xf32, #tpu.memory_space<vmem_shared>> -> memref<4096x128xf32, #tpu.memory_space<vmem_shared>>
          tpu.enqueue_indirect_dma source(%dma_start3A_310 : memref<4096x128xf32, #tpu.memory_space<vmem_shared>>) target(%dma_start3A_306 : memref<128x128xf32, #tpu.memory_space<vmem>>) offsets(%dma_start3A_307 : memref<128xi32, #tpu.memory_space<vmem>>) semaphore(%arg11 : memref<!tpu.dma_semaphore, #tpu.memory_space<semaphore_mem>>)
        } else {
        }
      } else {
      }
      %jit3A_135 = arith.constant 4 : i32
      %eq3A_136 = arith.constant 0 : i32
      %eq3A_137 = arith.cmpi eq, %jit3A_135, %eq3A_136 : i32
      %jit3A_138 = arith.constant 1 : i32
      %select_n3A_139 = arith.select %eq3A_137, %jit3A_138, %jit3A_135 : i32
      %rem3A = arith.remsi %while3A_123, %select_n3A_139 : i32
      %ne3A = arith.constant 0 : i32
      %ne3A_140 = arith.cmpi ne, %rem3A, %ne3A : i32
      %lt3A_141 = arith.constant 0 : i32
      %lt3A_142 = arith.cmpi slt, %rem3A, %lt3A_141 : i32
      %lt3A_143 = arith.constant 0 : i32
      %lt3A_144 = arith.cmpi slt, %select_n3A_139, %lt3A_143 : i32
      %ne3A_145 = arith.xori %lt3A_142, %lt3A_144 : i1
      %and3A = arith.andi %ne3A_145, %ne3A_140 : i1
      %add3A_146 = arith.addi %rem3A, %select_n3A_139 : i32
      %select_n3A_147 = arith.select %and3A, %add3A_146, %rem3A : i32
      %eq3A_148 = arith.constant 0 : i32
      %eq3A_149 = arith.cmpi eq, %select_n3A_147, %eq3A_148 : i32
      %convert_element_type3A_150 = arith.extui %eq3A_149 : i1 to i32
      %cond3A_151 = arith.constant 0 : i32
      %cond3A_152 = arith.cmpi ne, %convert_element_type3A_150, %cond3A_151 : i32
      scf.if %cond3A_152 {
        %mul3A_216 = arith.constant 128 : i32
        %mul3A_217 = arith.muli %while3A_123, %mul3A_216 : i32
        %dma_wait3A_218 = arith.constant 0 : i32
        %dma_wait3A_219 = arith.constant 0 : i32
        %dma_wait3A_220 = arith.constant 0 : i32
        %dma_wait3A_221 = tpu.memref_slice %arg7[%dma_wait3A_218, %dma_wait3A_219, %dma_wait3A_220] : memref<4x128x128xf32, #tpu.memory_space<vmem>> -> memref<1x128x128xf32, #tpu.memory_space<vmem>>
        %dma_wait3A_222 = tpu.memref_squeeze %dma_wait3A_221 : memref<1x128x128xf32, #tpu.memory_space<vmem>> -> memref<128x128xf32, #tpu.memory_space<vmem>>
        %dma_wait3A_223 = tpu.memref_slice %arg6[%mul3A_217] : memref<16512xi32, #tpu.memory_space<vmem>> -> memref<128xi32, #tpu.memory_space<vmem>>
        %dma_wait3A_224 = arith.constant 0 : i32
        %dma_wait3A_225 = arith.constant 0 : i32
        %dma_wait3A_226 = tpu.memref_slice %arg5[%dma_wait3A_224, %dma_wait3A_225] : memref<4096x128xf32, #tpu.memory_space<vmem_shared>> -> memref<4096x128xf32, #tpu.memory_space<vmem_shared>>
        tpu.wait_indirect_dma semaphore(%arg8 : memref<!tpu.dma_semaphore, #tpu.memory_space<semaphore_mem>>) src(%dma_wait3A_226 : memref<4096x128xf32, #tpu.memory_space<vmem_shared>>) dst(%dma_wait3A_222 : memref<128x128xf32, #tpu.memory_space<vmem>>)
        %mul3A_227 = arith.constant 128 : i32
        %mul3A_228 = arith.muli %while3A_123, %mul3A_227 : i32
        %add3A_229 = arith.addi %select_n3A_8, %mul3A_228 : i32
        %dma_start3A_230 = arith.constant 0 : i32
        %dma_start3A_231 = arith.constant 0 : i32
        %dma_start3A_232 = arith.constant 0 : i32
        %dma_start3A_233 = tpu.memref_slice %arg7[%dma_start3A_230, %dma_start3A_231, %dma_start3A_232] : memref<4x128x128xf32, #tpu.memory_space<vmem>> -> memref<1x128x128xf32, #tpu.memory_space<vmem>>
        %dma_start3A_234 = tpu.memref_squeeze %dma_start3A_233 : memref<1x128x128xf32, #tpu.memory_space<vmem>> -> memref<128x128xf32, #tpu.memory_space<vmem>>
        %dma_start3A_235 = arith.constant 0 : i32
        %dma_start3A_236 = tpu.memref_slice %arg4[%add3A_229, %dma_start3A_235] : memref<524288x128xf32, #tpu.memory_space<hbm>> -> memref<128x128xf32, #tpu.memory_space<hbm>>
        %dma_start3A_237 = arith.constant 0 : i32
        %dma_start3A_238 = tpu.memref_slice %arg4[%add3A_229, %dma_start3A_237] : memref<524288x128xf32, #tpu.memory_space<hbm>> -> memref<128x128xf32, #tpu.memory_space<hbm>>
        %dma_start3A_239 = arith.constant 0 : i32
        %dma_start3A_240 = arith.constant 0 : i32
        %dma_start3A_241 = tpu.memref_slice %arg7[%dma_start3A_230, %dma_start3A_239, %dma_start3A_240] : memref<4x128x128xf32, #tpu.memory_space<vmem>> -> memref<1x128x128xf32, #tpu.memory_space<vmem>>
        %dma_start3A_242 = tpu.memref_squeeze %dma_start3A_241 : memref<1x128x128xf32, #tpu.memory_space<vmem>> -> memref<128x128xf32, #tpu.memory_space<vmem>>
        tpu.enqueue_dma source(%dma_start3A_242 : memref<128x128xf32, #tpu.memory_space<vmem>>) target(%dma_start3A_238 : memref<128x128xf32, #tpu.memory_space<hbm>>) target_semaphore(%arg12 : memref<!tpu.dma_semaphore, #tpu.memory_space<semaphore_mem>>)
      } else {
      }
      %jit3A_153 = arith.constant 4 : i32
      %eq3A_154 = arith.constant 0 : i32
      %eq3A_155 = arith.cmpi eq, %jit3A_153, %eq3A_154 : i32
      %jit3A_156 = arith.constant 1 : i32
      %select_n3A_157 = arith.select %eq3A_155, %jit3A_156, %jit3A_153 : i32
      %rem3A_158 = arith.remsi %while3A_123, %select_n3A_157 : i32
      %ne3A_159 = arith.constant 0 : i32
      %ne3A_160 = arith.cmpi ne, %rem3A_158, %ne3A_159 : i32
      %lt3A_161 = arith.constant 0 : i32
      %lt3A_162 = arith.cmpi slt, %rem3A_158, %lt3A_161 : i32
      %lt3A_163 = arith.constant 0 : i32
      %lt3A_164 = arith.cmpi slt, %select_n3A_157, %lt3A_163 : i32
      %ne3A_165 = arith.xori %lt3A_162, %lt3A_164 : i1
      %and3A_166 = arith.andi %ne3A_165, %ne3A_160 : i1
      %add3A_167 = arith.addi %rem3A_158, %select_n3A_157 : i32
      %select_n3A_168 = arith.select %and3A_166, %add3A_167, %rem3A_158 : i32
      %eq3A_169 = arith.constant 1 : i32
      %eq3A_170 = arith.cmpi eq, %select_n3A_168, %eq3A_169 : i32
      %convert_element_type3A_171 = arith.extui %eq3A_170 : i1 to i32
      %cond3A_172 = arith.constant 0 : i32
      %cond3A_173 = arith.cmpi ne, %convert_element_type3A_171, %cond3A_172 : i32
      scf.if %cond3A_173 {
        %mul3A_216 = arith.constant 128 : i32
        %mul3A_217 = arith.muli %while3A_123, %mul3A_216 : i32
        %dma_wait3A_218 = arith.constant 1 : i32
        %dma_wait3A_219 = arith.constant 0 : i32
        %dma_wait3A_220 = arith.constant 0 : i32
        %dma_wait3A_221 = tpu.memref_slice %arg7[%dma_wait3A_218, %dma_wait3A_219, %dma_wait3A_220] : memref<4x128x128xf32, #tpu.memory_space<vmem>> -> memref<1x128x128xf32, #tpu.memory_space<vmem>>
        %dma_wait3A_222 = tpu.memref_squeeze %dma_wait3A_221 : memref<1x128x128xf32, #tpu.memory_space<vmem>> -> memref<128x128xf32, #tpu.memory_space<vmem>>
        %dma_wait3A_223 = tpu.memref_slice %arg6[%mul3A_217] : memref<16512xi32, #tpu.memory_space<vmem>> -> memref<128xi32, #tpu.memory_space<vmem>>
        %dma_wait3A_224 = arith.constant 0 : i32
        %dma_wait3A_225 = arith.constant 0 : i32
        %dma_wait3A_226 = tpu.memref_slice %arg5[%dma_wait3A_224, %dma_wait3A_225] : memref<4096x128xf32, #tpu.memory_space<vmem_shared>> -> memref<4096x128xf32, #tpu.memory_space<vmem_shared>>
        tpu.wait_indirect_dma semaphore(%arg9 : memref<!tpu.dma_semaphore, #tpu.memory_space<semaphore_mem>>) src(%dma_wait3A_226 : memref<4096x128xf32, #tpu.memory_space<vmem_shared>>) dst(%dma_wait3A_222 : memref<128x128xf32, #tpu.memory_space<vmem>>)
        %mul3A_227 = arith.constant 128 : i32
        %mul3A_228 = arith.muli %while3A_123, %mul3A_227 : i32
        %add3A_229 = arith.addi %select_n3A_8, %mul3A_228 : i32
        %dma_start3A_230 = arith.constant 1 : i32
        %dma_start3A_231 = arith.constant 0 : i32
        %dma_start3A_232 = arith.constant 0 : i32
        %dma_start3A_233 = tpu.memref_slice %arg7[%dma_start3A_230, %dma_start3A_231, %dma_start3A_232] : memref<4x128x128xf32, #tpu.memory_space<vmem>> -> memref<1x128x128xf32, #tpu.memory_space<vmem>>
        %dma_start3A_234 = tpu.memref_squeeze %dma_start3A_233 : memref<1x128x128xf32, #tpu.memory_space<vmem>> -> memref<128x128xf32, #tpu.memory_space<vmem>>
        %dma_start3A_235 = arith.constant 0 : i32
        %dma_start3A_236 = tpu.memref_slice %arg4[%add3A_229, %dma_start3A_235] : memref<524288x128xf32, #tpu.memory_space<hbm>> -> memref<128x128xf32, #tpu.memory_space<hbm>>
        %dma_start3A_237 = arith.constant 0 : i32
        %dma_start3A_238 = tpu.memref_slice %arg4[%add3A_229, %dma_start3A_237] : memref<524288x128xf32, #tpu.memory_space<hbm>> -> memref<128x128xf32, #tpu.memory_space<hbm>>
        %dma_start3A_239 = arith.constant 0 : i32
        %dma_start3A_240 = arith.constant 0 : i32
        %dma_start3A_241 = tpu.memref_slice %arg7[%dma_start3A_230, %dma_start3A_239, %dma_start3A_240] : memref<4x128x128xf32, #tpu.memory_space<vmem>> -> memref<1x128x128xf32, #tpu.memory_space<vmem>>
        %dma_start3A_242 = tpu.memref_squeeze %dma_start3A_241 : memref<1x128x128xf32, #tpu.memory_space<vmem>> -> memref<128x128xf32, #tpu.memory_space<vmem>>
        tpu.enqueue_dma source(%dma_start3A_242 : memref<128x128xf32, #tpu.memory_space<vmem>>) target(%dma_start3A_238 : memref<128x128xf32, #tpu.memory_space<hbm>>) target_semaphore(%arg13 : memref<!tpu.dma_semaphore, #tpu.memory_space<semaphore_mem>>)
      } else {
      }
      %jit3A_174 = arith.constant 4 : i32
      %eq3A_175 = arith.constant 0 : i32
      %eq3A_176 = arith.cmpi eq, %jit3A_174, %eq3A_175 : i32
      %jit3A_177 = arith.constant 1 : i32
      %select_n3A_178 = arith.select %eq3A_176, %jit3A_177, %jit3A_174 : i32
      %rem3A_179 = arith.remsi %while3A_123, %select_n3A_178 : i32
      %ne3A_180 = arith.constant 0 : i32
      %ne3A_181 = arith.cmpi ne, %rem3A_179, %ne3A_180 : i32
      %lt3A_182 = arith.constant 0 : i32
      %lt3A_183 = arith.cmpi slt, %rem3A_179, %lt3A_182 : i32
      %lt3A_184 = arith.constant 0 : i32
      %lt3A_185 = arith.cmpi slt, %select_n3A_178, %lt3A_184 : i32
      %ne3A_186 = arith.xori %lt3A_183, %lt3A_185 : i1
      %and3A_187 = arith.andi %ne3A_186, %ne3A_181 : i1
      %add3A_188 = arith.addi %rem3A_179, %select_n3A_178 : i32
      %select_n3A_189 = arith.select %and3A_187, %add3A_188, %rem3A_179 : i32
      %eq3A_190 = arith.constant 2 : i32
      %eq3A_191 = arith.cmpi eq, %select_n3A_189, %eq3A_190 : i32
      %convert_element_type3A_192 = arith.extui %eq3A_191 : i1 to i32
      %cond3A_193 = arith.constant 0 : i32
      %cond3A_194 = arith.cmpi ne, %convert_element_type3A_192, %cond3A_193 : i32
      scf.if %cond3A_194 {
        %mul3A_216 = arith.constant 128 : i32
        %mul3A_217 = arith.muli %while3A_123, %mul3A_216 : i32
        %dma_wait3A_218 = arith.constant 2 : i32
        %dma_wait3A_219 = arith.constant 0 : i32
        %dma_wait3A_220 = arith.constant 0 : i32
        %dma_wait3A_221 = tpu.memref_slice %arg7[%dma_wait3A_218, %dma_wait3A_219, %dma_wait3A_220] : memref<4x128x128xf32, #tpu.memory_space<vmem>> -> memref<1x128x128xf32, #tpu.memory_space<vmem>>
        %dma_wait3A_222 = tpu.memref_squeeze %dma_wait3A_221 : memref<1x128x128xf32, #tpu.memory_space<vmem>> -> memref<128x128xf32, #tpu.memory_space<vmem>>
        %dma_wait3A_223 = tpu.memref_slice %arg6[%mul3A_217] : memref<16512xi32, #tpu.memory_space<vmem>> -> memref<128xi32, #tpu.memory_space<vmem>>
        %dma_wait3A_224 = arith.constant 0 : i32
        %dma_wait3A_225 = arith.constant 0 : i32
        %dma_wait3A_226 = tpu.memref_slice %arg5[%dma_wait3A_224, %dma_wait3A_225] : memref<4096x128xf32, #tpu.memory_space<vmem_shared>> -> memref<4096x128xf32, #tpu.memory_space<vmem_shared>>
        tpu.wait_indirect_dma semaphore(%arg10 : memref<!tpu.dma_semaphore, #tpu.memory_space<semaphore_mem>>) src(%dma_wait3A_226 : memref<4096x128xf32, #tpu.memory_space<vmem_shared>>) dst(%dma_wait3A_222 : memref<128x128xf32, #tpu.memory_space<vmem>>)
        %mul3A_227 = arith.constant 128 : i32
        %mul3A_228 = arith.muli %while3A_123, %mul3A_227 : i32
        %add3A_229 = arith.addi %select_n3A_8, %mul3A_228 : i32
        %dma_start3A_230 = arith.constant 2 : i32
        %dma_start3A_231 = arith.constant 0 : i32
        %dma_start3A_232 = arith.constant 0 : i32
        %dma_start3A_233 = tpu.memref_slice %arg7[%dma_start3A_230, %dma_start3A_231, %dma_start3A_232] : memref<4x128x128xf32, #tpu.memory_space<vmem>> -> memref<1x128x128xf32, #tpu.memory_space<vmem>>
        %dma_start3A_234 = tpu.memref_squeeze %dma_start3A_233 : memref<1x128x128xf32, #tpu.memory_space<vmem>> -> memref<128x128xf32, #tpu.memory_space<vmem>>
        %dma_start3A_235 = arith.constant 0 : i32
        %dma_start3A_236 = tpu.memref_slice %arg4[%add3A_229, %dma_start3A_235] : memref<524288x128xf32, #tpu.memory_space<hbm>> -> memref<128x128xf32, #tpu.memory_space<hbm>>
        %dma_start3A_237 = arith.constant 0 : i32
        %dma_start3A_238 = tpu.memref_slice %arg4[%add3A_229, %dma_start3A_237] : memref<524288x128xf32, #tpu.memory_space<hbm>> -> memref<128x128xf32, #tpu.memory_space<hbm>>
        %dma_start3A_239 = arith.constant 0 : i32
        %dma_start3A_240 = arith.constant 0 : i32
        %dma_start3A_241 = tpu.memref_slice %arg7[%dma_start3A_230, %dma_start3A_239, %dma_start3A_240] : memref<4x128x128xf32, #tpu.memory_space<vmem>> -> memref<1x128x128xf32, #tpu.memory_space<vmem>>
        %dma_start3A_242 = tpu.memref_squeeze %dma_start3A_241 : memref<1x128x128xf32, #tpu.memory_space<vmem>> -> memref<128x128xf32, #tpu.memory_space<vmem>>
        tpu.enqueue_dma source(%dma_start3A_242 : memref<128x128xf32, #tpu.memory_space<vmem>>) target(%dma_start3A_238 : memref<128x128xf32, #tpu.memory_space<hbm>>) target_semaphore(%arg14 : memref<!tpu.dma_semaphore, #tpu.memory_space<semaphore_mem>>)
      } else {
      }
      %jit3A_195 = arith.constant 4 : i32
      %eq3A_196 = arith.constant 0 : i32
      %eq3A_197 = arith.cmpi eq, %jit3A_195, %eq3A_196 : i32
      %jit3A_198 = arith.constant 1 : i32
      %select_n3A_199 = arith.select %eq3A_197, %jit3A_198, %jit3A_195 : i32
      %rem3A_200 = arith.remsi %while3A_123, %select_n3A_199 : i32
      %ne3A_201 = arith.constant 0 : i32
      %ne3A_202 = arith.cmpi ne, %rem3A_200, %ne3A_201 : i32
      %lt3A_203 = arith.constant 0 : i32
      %lt3A_204 = arith.cmpi slt, %rem3A_200, %lt3A_203 : i32
      %lt3A_205 = arith.constant 0 : i32
      %lt3A_206 = arith.cmpi slt, %select_n3A_199, %lt3A_205 : i32
      %ne3A_207 = arith.xori %lt3A_204, %lt3A_206 : i1
      %and3A_208 = arith.andi %ne3A_207, %ne3A_202 : i1
      %add3A_209 = arith.addi %rem3A_200, %select_n3A_199 : i32
      %select_n3A_210 = arith.select %and3A_208, %add3A_209, %rem3A_200 : i32
      %eq3A_211 = arith.constant 3 : i32
      %eq3A_212 = arith.cmpi eq, %select_n3A_210, %eq3A_211 : i32
      %convert_element_type3A_213 = arith.extui %eq3A_212 : i1 to i32
      %cond3A_214 = arith.constant 0 : i32
      %cond3A_215 = arith.cmpi ne, %convert_element_type3A_213, %cond3A_214 : i32
      scf.if %cond3A_215 {
        %mul3A_216 = arith.constant 128 : i32
        %mul3A_217 = arith.muli %while3A_123, %mul3A_216 : i32
        %dma_wait3A_218 = arith.constant 3 : i32
        %dma_wait3A_219 = arith.constant 0 : i32
        %dma_wait3A_220 = arith.constant 0 : i32
        %dma_wait3A_221 = tpu.memref_slice %arg7[%dma_wait3A_218, %dma_wait3A_219, %dma_wait3A_220] : memref<4x128x128xf32, #tpu.memory_space<vmem>> -> memref<1x128x128xf32, #tpu.memory_space<vmem>>
        %dma_wait3A_222 = tpu.memref_squeeze %dma_wait3A_221 : memref<1x128x128xf32, #tpu.memory_space<vmem>> -> memref<128x128xf32, #tpu.memory_space<vmem>>
        %dma_wait3A_223 = tpu.memref_slice %arg6[%mul3A_217] : memref<16512xi32, #tpu.memory_space<vmem>> -> memref<128xi32, #tpu.memory_space<vmem>>
        %dma_wait3A_224 = arith.constant 0 : i32
        %dma_wait3A_225 = arith.constant 0 : i32
        %dma_wait3A_226 = tpu.memref_slice %arg5[%dma_wait3A_224, %dma_wait3A_225] : memref<4096x128xf32, #tpu.memory_space<vmem_shared>> -> memref<4096x128xf32, #tpu.memory_space<vmem_shared>>
        tpu.wait_indirect_dma semaphore(%arg11 : memref<!tpu.dma_semaphore, #tpu.memory_space<semaphore_mem>>) src(%dma_wait3A_226 : memref<4096x128xf32, #tpu.memory_space<vmem_shared>>) dst(%dma_wait3A_222 : memref<128x128xf32, #tpu.memory_space<vmem>>)
        %mul3A_227 = arith.constant 128 : i32
        %mul3A_228 = arith.muli %while3A_123, %mul3A_227 : i32
        %add3A_229 = arith.addi %select_n3A_8, %mul3A_228 : i32
        %dma_start3A_230 = arith.constant 3 : i32
        %dma_start3A_231 = arith.constant 0 : i32
        %dma_start3A_232 = arith.constant 0 : i32
        %dma_start3A_233 = tpu.memref_slice %arg7[%dma_start3A_230, %dma_start3A_231, %dma_start3A_232] : memref<4x128x128xf32, #tpu.memory_space<vmem>> -> memref<1x128x128xf32, #tpu.memory_space<vmem>>
        %dma_start3A_234 = tpu.memref_squeeze %dma_start3A_233 : memref<1x128x128xf32, #tpu.memory_space<vmem>> -> memref<128x128xf32, #tpu.memory_space<vmem>>
        %dma_start3A_235 = arith.constant 0 : i32
        %dma_start3A_236 = tpu.memref_slice %arg4[%add3A_229, %dma_start3A_235] : memref<524288x128xf32, #tpu.memory_space<hbm>> -> memref<128x128xf32, #tpu.memory_space<hbm>>
        %dma_start3A_237 = arith.constant 0 : i32
        %dma_start3A_238 = tpu.memref_slice %arg4[%add3A_229, %dma_start3A_237] : memref<524288x128xf32, #tpu.memory_space<hbm>> -> memref<128x128xf32, #tpu.memory_space<hbm>>
        %dma_start3A_239 = arith.constant 0 : i32
        %dma_start3A_240 = arith.constant 0 : i32
        %dma_start3A_241 = tpu.memref_slice %arg7[%dma_start3A_230, %dma_start3A_239, %dma_start3A_240] : memref<4x128x128xf32, #tpu.memory_space<vmem>> -> memref<1x128x128xf32, #tpu.memory_space<vmem>>
        %dma_start3A_242 = tpu.memref_squeeze %dma_start3A_241 : memref<1x128x128xf32, #tpu.memory_space<vmem>> -> memref<128x128xf32, #tpu.memory_space<vmem>>
        tpu.enqueue_dma source(%dma_start3A_242 : memref<128x128xf32, #tpu.memory_space<vmem>>) target(%dma_start3A_238 : memref<128x128xf32, #tpu.memory_space<hbm>>) target_semaphore(%arg15 : memref<!tpu.dma_semaphore, #tpu.memory_space<semaphore_mem>>)
      } else {
      }
    }
    %while3A_112 = arith.constant 1 : i32
    scf.for %while3A_123 = %while3A_110 to %while3A_106 step %while3A_112  : i32 {
      %add3A_124 = arith.constant 2 : i32
      %add3A_125 = arith.addi %while3A_123, %add3A_124 : i32
      %sub3A_126 = arith.constant 4 : i32
      %sub3A_127 = arith.subi %add3A_125, %sub3A_126 : i32
      %ge3A = arith.constant 0 : i32
      %ge3A_128 = arith.cmpi sge, %sub3A_127, %ge3A : i32
      %convert_element_type3A_129 = arith.extui %ge3A_128 : i1 to i32
      %cond3A_130 = arith.constant 0 : i32
      %cond3A_131 = arith.cmpi ne, %convert_element_type3A_129, %cond3A_130 : i32
      scf.if %cond3A_131 {
        %jit3A_216 = arith.constant 4 : i32
        %eq3A_217 = arith.constant 0 : i32
        %eq3A_218 = arith.cmpi eq, %jit3A_216, %eq3A_217 : i32
        %jit3A_219 = arith.constant 1 : i32
        %select_n3A_220 = arith.select %eq3A_218, %jit3A_219, %jit3A_216 : i32
        %rem3A_221 = arith.remsi %sub3A_127, %select_n3A_220 : i32
        %ne3A_222 = arith.constant 0 : i32
        %ne3A_223 = arith.cmpi ne, %rem3A_221, %ne3A_222 : i32
        %lt3A_224 = arith.constant 0 : i32
        %lt3A_225 = arith.cmpi slt, %rem3A_221, %lt3A_224 : i32
        %lt3A_226 = arith.constant 0 : i32
        %lt3A_227 = arith.cmpi slt, %select_n3A_220, %lt3A_226 : i32
        %ne3A_228 = arith.xori %lt3A_225, %lt3A_227 : i1
        %and3A_229 = arith.andi %ne3A_228, %ne3A_223 : i1
        %add3A_230 = arith.addi %rem3A_221, %select_n3A_220 : i32
        %select_n3A_231 = arith.select %and3A_229, %add3A_230, %rem3A_221 : i32
        %eq3A_232 = arith.constant 0 : i32
        %eq3A_233 = arith.cmpi eq, %select_n3A_231, %eq3A_232 : i32
        %convert_element_type3A_234 = arith.extui %eq3A_233 : i1 to i32
        %cond3A_235 = arith.constant 0 : i32
        %cond3A_236 = arith.cmpi ne, %convert_element_type3A_234, %cond3A_235 : i32
        scf.if %cond3A_236 {
          %mul3A_300 = arith.constant 128 : i32
          %mul3A_301 = arith.muli %sub3A_127, %mul3A_300 : i32
          %add3A_302 = arith.addi %select_n3A_8, %mul3A_301 : i32
          %dma_wait3A_303 = arith.constant 0 : i32
          %dma_wait3A_304 = arith.constant 0 : i32
          %dma_wait3A_305 = arith.constant 0 : i32
          %dma_wait3A_306 = tpu.memref_slice %arg7[%dma_wait3A_303, %dma_wait3A_304, %dma_wait3A_305] : memref<4x128x128xf32, #tpu.memory_space<vmem>> -> memref<1x128x128xf32, #tpu.memory_space<vmem>>
          %dma_wait3A_307 = tpu.memref_squeeze %dma_wait3A_306 : memref<1x128x128xf32, #tpu.memory_space<vmem>> -> memref<128x128xf32, #tpu.memory_space<vmem>>
          %dma_wait3A_308 = arith.constant 0 : i32
          %dma_wait3A_309 = tpu.memref_slice %arg4[%add3A_302, %dma_wait3A_308] : memref<524288x128xf32, #tpu.memory_space<hbm>> -> memref<128x128xf32, #tpu.memory_space<hbm>>
          %dma_wait3A_310 = arith.constant 0 : i32
          %dma_wait3A_311 = tpu.memref_slice %arg4[%add3A_302, %dma_wait3A_310] : memref<524288x128xf32, #tpu.memory_space<hbm>> -> memref<128x128xf32, #tpu.memory_space<hbm>>
          %dma_wait3A_312 = arith.constant 0 : i32
          %dma_wait3A_313 = arith.constant 0 : i32
          %dma_wait3A_314 = tpu.memref_slice %arg7[%dma_wait3A_303, %dma_wait3A_312, %dma_wait3A_313] : memref<4x128x128xf32, #tpu.memory_space<vmem>> -> memref<1x128x128xf32, #tpu.memory_space<vmem>>
          %dma_wait3A_315 = tpu.memref_squeeze %dma_wait3A_314 : memref<1x128x128xf32, #tpu.memory_space<vmem>> -> memref<128x128xf32, #tpu.memory_space<vmem>>
          tpu.wait_dma2 semaphore(%arg12 : memref<!tpu.dma_semaphore, #tpu.memory_space<semaphore_mem>>) src(%dma_wait3A_315 : memref<128x128xf32, #tpu.memory_space<vmem>>) dst(%dma_wait3A_311 : memref<128x128xf32, #tpu.memory_space<hbm>>)
        } else {
        }
        %jit3A_237 = arith.constant 4 : i32
        %eq3A_238 = arith.constant 0 : i32
        %eq3A_239 = arith.cmpi eq, %jit3A_237, %eq3A_238 : i32
        %jit3A_240 = arith.constant 1 : i32
        %select_n3A_241 = arith.select %eq3A_239, %jit3A_240, %jit3A_237 : i32
        %rem3A_242 = arith.remsi %sub3A_127, %select_n3A_241 : i32
        %ne3A_243 = arith.constant 0 : i32
        %ne3A_244 = arith.cmpi ne, %rem3A_242, %ne3A_243 : i32
        %lt3A_245 = arith.constant 0 : i32
        %lt3A_246 = arith.cmpi slt, %rem3A_242, %lt3A_245 : i32
        %lt3A_247 = arith.constant 0 : i32
        %lt3A_248 = arith.cmpi slt, %select_n3A_241, %lt3A_247 : i32
        %ne3A_249 = arith.xori %lt3A_246, %lt3A_248 : i1
        %and3A_250 = arith.andi %ne3A_249, %ne3A_244 : i1
        %add3A_251 = arith.addi %rem3A_242, %select_n3A_241 : i32
        %select_n3A_252 = arith.select %and3A_250, %add3A_251, %rem3A_242 : i32
        %eq3A_253 = arith.constant 1 : i32
        %eq3A_254 = arith.cmpi eq, %select_n3A_252, %eq3A_253 : i32
        %convert_element_type3A_255 = arith.extui %eq3A_254 : i1 to i32
        %cond3A_256 = arith.constant 0 : i32
        %cond3A_257 = arith.cmpi ne, %convert_element_type3A_255, %cond3A_256 : i32
        scf.if %cond3A_257 {
          %mul3A_300 = arith.constant 128 : i32
          %mul3A_301 = arith.muli %sub3A_127, %mul3A_300 : i32
          %add3A_302 = arith.addi %select_n3A_8, %mul3A_301 : i32
          %dma_wait3A_303 = arith.constant 1 : i32
          %dma_wait3A_304 = arith.constant 0 : i32
          %dma_wait3A_305 = arith.constant 0 : i32
          %dma_wait3A_306 = tpu.memref_slice %arg7[%dma_wait3A_303, %dma_wait3A_304, %dma_wait3A_305] : memref<4x128x128xf32, #tpu.memory_space<vmem>> -> memref<1x128x128xf32, #tpu.memory_space<vmem>>
          %dma_wait3A_307 = tpu.memref_squeeze %dma_wait3A_306 : memref<1x128x128xf32, #tpu.memory_space<vmem>> -> memref<128x128xf32, #tpu.memory_space<vmem>>
          %dma_wait3A_308 = arith.constant 0 : i32
          %dma_wait3A_309 = tpu.memref_slice %arg4[%add3A_302, %dma_wait3A_308] : memref<524288x128xf32, #tpu.memory_space<hbm>> -> memref<128x128xf32, #tpu.memory_space<hbm>>
          %dma_wait3A_310 = arith.constant 0 : i32
          %dma_wait3A_311 = tpu.memref_slice %arg4[%add3A_302, %dma_wait3A_310] : memref<524288x128xf32, #tpu.memory_space<hbm>> -> memref<128x128xf32, #tpu.memory_space<hbm>>
          %dma_wait3A_312 = arith.constant 0 : i32
          %dma_wait3A_313 = arith.constant 0 : i32
          %dma_wait3A_314 = tpu.memref_slice %arg7[%dma_wait3A_303, %dma_wait3A_312, %dma_wait3A_313] : memref<4x128x128xf32, #tpu.memory_space<vmem>> -> memref<1x128x128xf32, #tpu.memory_space<vmem>>
          %dma_wait3A_315 = tpu.memref_squeeze %dma_wait3A_314 : memref<1x128x128xf32, #tpu.memory_space<vmem>> -> memref<128x128xf32, #tpu.memory_space<vmem>>
          tpu.wait_dma2 semaphore(%arg13 : memref<!tpu.dma_semaphore, #tpu.memory_space<semaphore_mem>>) src(%dma_wait3A_315 : memref<128x128xf32, #tpu.memory_space<vmem>>) dst(%dma_wait3A_311 : memref<128x128xf32, #tpu.memory_space<hbm>>)
        } else {
        }
        %jit3A_258 = arith.constant 4 : i32
        %eq3A_259 = arith.constant 0 : i32
        %eq3A_260 = arith.cmpi eq, %jit3A_258, %eq3A_259 : i32
        %jit3A_261 = arith.constant 1 : i32
        %select_n3A_262 = arith.select %eq3A_260, %jit3A_261, %jit3A_258 : i32
        %rem3A_263 = arith.remsi %sub3A_127, %select_n3A_262 : i32
        %ne3A_264 = arith.constant 0 : i32
        %ne3A_265 = arith.cmpi ne, %rem3A_263, %ne3A_264 : i32
        %lt3A_266 = arith.constant 0 : i32
        %lt3A_267 = arith.cmpi slt, %rem3A_263, %lt3A_266 : i32
        %lt3A_268 = arith.constant 0 : i32
        %lt3A_269 = arith.cmpi slt, %select_n3A_262, %lt3A_268 : i32
        %ne3A_270 = arith.xori %lt3A_267, %lt3A_269 : i1
        %and3A_271 = arith.andi %ne3A_270, %ne3A_265 : i1
        %add3A_272 = arith.addi %rem3A_263, %select_n3A_262 : i32
        %select_n3A_273 = arith.select %and3A_271, %add3A_272, %rem3A_263 : i32
        %eq3A_274 = arith.constant 2 : i32
        %eq3A_275 = arith.cmpi eq, %select_n3A_273, %eq3A_274 : i32
        %convert_element_type3A_276 = arith.extui %eq3A_275 : i1 to i32
        %cond3A_277 = arith.constant 0 : i32
        %cond3A_278 = arith.cmpi ne, %convert_element_type3A_276, %cond3A_277 : i32
        scf.if %cond3A_278 {
          %mul3A_300 = arith.constant 128 : i32
          %mul3A_301 = arith.muli %sub3A_127, %mul3A_300 : i32
          %add3A_302 = arith.addi %select_n3A_8, %mul3A_301 : i32
          %dma_wait3A_303 = arith.constant 2 : i32
          %dma_wait3A_304 = arith.constant 0 : i32
          %dma_wait3A_305 = arith.constant 0 : i32
          %dma_wait3A_306 = tpu.memref_slice %arg7[%dma_wait3A_303, %dma_wait3A_304, %dma_wait3A_305] : memref<4x128x128xf32, #tpu.memory_space<vmem>> -> memref<1x128x128xf32, #tpu.memory_space<vmem>>
          %dma_wait3A_307 = tpu.memref_squeeze %dma_wait3A_306 : memref<1x128x128xf32, #tpu.memory_space<vmem>> -> memref<128x128xf32, #tpu.memory_space<vmem>>
          %dma_wait3A_308 = arith.constant 0 : i32
          %dma_wait3A_309 = tpu.memref_slice %arg4[%add3A_302, %dma_wait3A_308] : memref<524288x128xf32, #tpu.memory_space<hbm>> -> memref<128x128xf32, #tpu.memory_space<hbm>>
          %dma_wait3A_310 = arith.constant 0 : i32
          %dma_wait3A_311 = tpu.memref_slice %arg4[%add3A_302, %dma_wait3A_310] : memref<524288x128xf32, #tpu.memory_space<hbm>> -> memref<128x128xf32, #tpu.memory_space<hbm>>
          %dma_wait3A_312 = arith.constant 0 : i32
          %dma_wait3A_313 = arith.constant 0 : i32
          %dma_wait3A_314 = tpu.memref_slice %arg7[%dma_wait3A_303, %dma_wait3A_312, %dma_wait3A_313] : memref<4x128x128xf32, #tpu.memory_space<vmem>> -> memref<1x128x128xf32, #tpu.memory_space<vmem>>
          %dma_wait3A_315 = tpu.memref_squeeze %dma_wait3A_314 : memref<1x128x128xf32, #tpu.memory_space<vmem>> -> memref<128x128xf32, #tpu.memory_space<vmem>>
          tpu.wait_dma2 semaphore(%arg14 : memref<!tpu.dma_semaphore, #tpu.memory_space<semaphore_mem>>) src(%dma_wait3A_315 : memref<128x128xf32, #tpu.memory_space<vmem>>) dst(%dma_wait3A_311 : memref<128x128xf32, #tpu.memory_space<hbm>>)
        } else {
        }
        %jit3A_279 = arith.constant 4 : i32
        %eq3A_280 = arith.constant 0 : i32
        %eq3A_281 = arith.cmpi eq, %jit3A_279, %eq3A_280 : i32
        %jit3A_282 = arith.constant 1 : i32
        %select_n3A_283 = arith.select %eq3A_281, %jit3A_282, %jit3A_279 : i32
        %rem3A_284 = arith.remsi %sub3A_127, %select_n3A_283 : i32
        %ne3A_285 = arith.constant 0 : i32
        %ne3A_286 = arith.cmpi ne, %rem3A_284, %ne3A_285 : i32
        %lt3A_287 = arith.constant 0 : i32
        %lt3A_288 = arith.cmpi slt, %rem3A_284, %lt3A_287 : i32
        %lt3A_289 = arith.constant 0 : i32
        %lt3A_290 = arith.cmpi slt, %select_n3A_283, %lt3A_289 : i32
        %ne3A_291 = arith.xori %lt3A_288, %lt3A_290 : i1
        %and3A_292 = arith.andi %ne3A_291, %ne3A_286 : i1
        %add3A_293 = arith.addi %rem3A_284, %select_n3A_283 : i32
        %select_n3A_294 = arith.select %and3A_292, %add3A_293, %rem3A_284 : i32
        %eq3A_295 = arith.constant 3 : i32
        %eq3A_296 = arith.cmpi eq, %select_n3A_294, %eq3A_295 : i32
        %convert_element_type3A_297 = arith.extui %eq3A_296 : i1 to i32
        %cond3A_298 = arith.constant 0 : i32
        %cond3A_299 = arith.cmpi ne, %convert_element_type3A_297, %cond3A_298 : i32
        scf.if %cond3A_299 {
          %mul3A_300 = arith.constant 128 : i32
          %mul3A_301 = arith.muli %sub3A_127, %mul3A_300 : i32
          %add3A_302 = arith.addi %select_n3A_8, %mul3A_301 : i32
          %dma_wait3A_303 = arith.constant 3 : i32
          %dma_wait3A_304 = arith.constant 0 : i32
          %dma_wait3A_305 = arith.constant 0 : i32
          %dma_wait3A_306 = tpu.memref_slice %arg7[%dma_wait3A_303, %dma_wait3A_304, %dma_wait3A_305] : memref<4x128x128xf32, #tpu.memory_space<vmem>> -> memref<1x128x128xf32, #tpu.memory_space<vmem>>
          %dma_wait3A_307 = tpu.memref_squeeze %dma_wait3A_306 : memref<1x128x128xf32, #tpu.memory_space<vmem>> -> memref<128x128xf32, #tpu.memory_space<vmem>>
          %dma_wait3A_308 = arith.constant 0 : i32
          %dma_wait3A_309 = tpu.memref_slice %arg4[%add3A_302, %dma_wait3A_308] : memref<524288x128xf32, #tpu.memory_space<hbm>> -> memref<128x128xf32, #tpu.memory_space<hbm>>
          %dma_wait3A_310 = arith.constant 0 : i32
          %dma_wait3A_311 = tpu.memref_slice %arg4[%add3A_302, %dma_wait3A_310] : memref<524288x128xf32, #tpu.memory_space<hbm>> -> memref<128x128xf32, #tpu.memory_space<hbm>>
          %dma_wait3A_312 = arith.constant 0 : i32
          %dma_wait3A_313 = arith.constant 0 : i32
          %dma_wait3A_314 = tpu.memref_slice %arg7[%dma_wait3A_303, %dma_wait3A_312, %dma_wait3A_313] : memref<4x128x128xf32, #tpu.memory_space<vmem>> -> memref<1x128x128xf32, #tpu.memory_space<vmem>>
          %dma_wait3A_315 = tpu.memref_squeeze %dma_wait3A_314 : memref<1x128x128xf32, #tpu.memory_space<vmem>> -> memref<128x128xf32, #tpu.memory_space<vmem>>
          tpu.wait_dma2 semaphore(%arg15 : memref<!tpu.dma_semaphore, #tpu.memory_space<semaphore_mem>>) src(%dma_wait3A_315 : memref<128x128xf32, #tpu.memory_space<vmem>>) dst(%dma_wait3A_311 : memref<128x128xf32, #tpu.memory_space<hbm>>)
        } else {
        }
      } else {
      }
      %lt3A = arith.cmpi slt, %add3A_125, %select_n3A : i32
      %convert_element_type3A_132 = arith.extui %lt3A : i1 to i32
      %cond3A_133 = arith.constant 0 : i32
      %cond3A_134 = arith.cmpi ne, %convert_element_type3A_132, %cond3A_133 : i32
      scf.if %cond3A_134 {
        %jit3A_216 = arith.constant 4 : i32
        %eq3A_217 = arith.constant 0 : i32
        %eq3A_218 = arith.cmpi eq, %jit3A_216, %eq3A_217 : i32
        %jit3A_219 = arith.constant 1 : i32
        %select_n3A_220 = arith.select %eq3A_218, %jit3A_219, %jit3A_216 : i32
        %rem3A_221 = arith.remsi %add3A_125, %select_n3A_220 : i32
        %ne3A_222 = arith.constant 0 : i32
        %ne3A_223 = arith.cmpi ne, %rem3A_221, %ne3A_222 : i32
        %lt3A_224 = arith.constant 0 : i32
        %lt3A_225 = arith.cmpi slt, %rem3A_221, %lt3A_224 : i32
        %lt3A_226 = arith.constant 0 : i32
        %lt3A_227 = arith.cmpi slt, %select_n3A_220, %lt3A_226 : i32
        %ne3A_228 = arith.xori %lt3A_225, %lt3A_227 : i1
        %and3A_229 = arith.andi %ne3A_228, %ne3A_223 : i1
        %add3A_230 = arith.addi %rem3A_221, %select_n3A_220 : i32
        %select_n3A_231 = arith.select %and3A_229, %add3A_230, %rem3A_221 : i32
        %eq3A_232 = arith.constant 0 : i32
        %eq3A_233 = arith.cmpi eq, %select_n3A_231, %eq3A_232 : i32
        %convert_element_type3A_234 = arith.extui %eq3A_233 : i1 to i32
        %cond3A_235 = arith.constant 0 : i32
        %cond3A_236 = arith.cmpi ne, %convert_element_type3A_234, %cond3A_235 : i32
        scf.if %cond3A_236 {
          %mul3A_300 = arith.constant 128 : i32
          %mul3A_301 = arith.muli %add3A_125, %mul3A_300 : i32
          %dma_start3A_302 = arith.constant 0 : i32
          %dma_start3A_303 = arith.constant 0 : i32
          %dma_start3A_304 = arith.constant 0 : i32
          %dma_start3A_305 = tpu.memref_slice %arg7[%dma_start3A_302, %dma_start3A_303, %dma_start3A_304] : memref<4x128x128xf32, #tpu.memory_space<vmem>> -> memref<1x128x128xf32, #tpu.memory_space<vmem>>
          %dma_start3A_306 = tpu.memref_squeeze %dma_start3A_305 : memref<1x128x128xf32, #tpu.memory_space<vmem>> -> memref<128x128xf32, #tpu.memory_space<vmem>>
          %dma_start3A_307 = tpu.memref_slice %arg6[%mul3A_301] : memref<16512xi32, #tpu.memory_space<vmem>> -> memref<128xi32, #tpu.memory_space<vmem>>
          %dma_start3A_308 = arith.constant 0 : i32
          %dma_start3A_309 = arith.constant 0 : i32
          %dma_start3A_310 = tpu.memref_slice %arg5[%dma_start3A_308, %dma_start3A_309] : memref<4096x128xf32, #tpu.memory_space<vmem_shared>> -> memref<4096x128xf32, #tpu.memory_space<vmem_shared>>
          tpu.enqueue_indirect_dma source(%dma_start3A_310 : memref<4096x128xf32, #tpu.memory_space<vmem_shared>>) target(%dma_start3A_306 : memref<128x128xf32, #tpu.memory_space<vmem>>) offsets(%dma_start3A_307 : memref<128xi32, #tpu.memory_space<vmem>>) semaphore(%arg8 : memref<!tpu.dma_semaphore, #tpu.memory_space<semaphore_mem>>)
        } else {
        }
        %jit3A_237 = arith.constant 4 : i32
        %eq3A_238 = arith.constant 0 : i32
        %eq3A_239 = arith.cmpi eq, %jit3A_237, %eq3A_238 : i32
        %jit3A_240 = arith.constant 1 : i32
        %select_n3A_241 = arith.select %eq3A_239, %jit3A_240, %jit3A_237 : i32
        %rem3A_242 = arith.remsi %add3A_125, %select_n3A_241 : i32
        %ne3A_243 = arith.constant 0 : i32
        %ne3A_244 = arith.cmpi ne, %rem3A_242, %ne3A_243 : i32
        %lt3A_245 = arith.constant 0 : i32
        %lt3A_246 = arith.cmpi slt, %rem3A_242, %lt3A_245 : i32
        %lt3A_247 = arith.constant 0 : i32
        %lt3A_248 = arith.cmpi slt, %select_n3A_241, %lt3A_247 : i32
        %ne3A_249 = arith.xori %lt3A_246, %lt3A_248 : i1
        %and3A_250 = arith.andi %ne3A_249, %ne3A_244 : i1
        %add3A_251 = arith.addi %rem3A_242, %select_n3A_241 : i32
        %select_n3A_252 = arith.select %and3A_250, %add3A_251, %rem3A_242 : i32
        %eq3A_253 = arith.constant 1 : i32
        %eq3A_254 = arith.cmpi eq, %select_n3A_252, %eq3A_253 : i32
        %convert_element_type3A_255 = arith.extui %eq3A_254 : i1 to i32
        %cond3A_256 = arith.constant 0 : i32
        %cond3A_257 = arith.cmpi ne, %convert_element_type3A_255, %cond3A_256 : i32
        scf.if %cond3A_257 {
          %mul3A_300 = arith.constant 128 : i32
          %mul3A_301 = arith.muli %add3A_125, %mul3A_300 : i32
          %dma_start3A_302 = arith.constant 1 : i32
          %dma_start3A_303 = arith.constant 0 : i32
          %dma_start3A_304 = arith.constant 0 : i32
          %dma_start3A_305 = tpu.memref_slice %arg7[%dma_start3A_302, %dma_start3A_303, %dma_start3A_304] : memref<4x128x128xf32, #tpu.memory_space<vmem>> -> memref<1x128x128xf32, #tpu.memory_space<vmem>>
          %dma_start3A_306 = tpu.memref_squeeze %dma_start3A_305 : memref<1x128x128xf32, #tpu.memory_space<vmem>> -> memref<128x128xf32, #tpu.memory_space<vmem>>
          %dma_start3A_307 = tpu.memref_slice %arg6[%mul3A_301] : memref<16512xi32, #tpu.memory_space<vmem>> -> memref<128xi32, #tpu.memory_space<vmem>>
          %dma_start3A_308 = arith.constant 0 : i32
          %dma_start3A_309 = arith.constant 0 : i32
          %dma_start3A_310 = tpu.memref_slice %arg5[%dma_start3A_308, %dma_start3A_309] : memref<4096x128xf32, #tpu.memory_space<vmem_shared>> -> memref<4096x128xf32, #tpu.memory_space<vmem_shared>>
          tpu.enqueue_indirect_dma source(%dma_start3A_310 : memref<4096x128xf32, #tpu.memory_space<vmem_shared>>) target(%dma_start3A_306 : memref<128x128xf32, #tpu.memory_space<vmem>>) offsets(%dma_start3A_307 : memref<128xi32, #tpu.memory_space<vmem>>) semaphore(%arg9 : memref<!tpu.dma_semaphore, #tpu.memory_space<semaphore_mem>>)
        } else {
        }
        %jit3A_258 = arith.constant 4 : i32
        %eq3A_259 = arith.constant 0 : i32
        %eq3A_260 = arith.cmpi eq, %jit3A_258, %eq3A_259 : i32
        %jit3A_261 = arith.constant 1 : i32
        %select_n3A_262 = arith.select %eq3A_260, %jit3A_261, %jit3A_258 : i32
        %rem3A_263 = arith.remsi %add3A_125, %select_n3A_262 : i32
        %ne3A_264 = arith.constant 0 : i32
        %ne3A_265 = arith.cmpi ne, %rem3A_263, %ne3A_264 : i32
        %lt3A_266 = arith.constant 0 : i32
        %lt3A_267 = arith.cmpi slt, %rem3A_263, %lt3A_266 : i32
        %lt3A_268 = arith.constant 0 : i32
        %lt3A_269 = arith.cmpi slt, %select_n3A_262, %lt3A_268 : i32
        %ne3A_270 = arith.xori %lt3A_267, %lt3A_269 : i1
        %and3A_271 = arith.andi %ne3A_270, %ne3A_265 : i1
        %add3A_272 = arith.addi %rem3A_263, %select_n3A_262 : i32
        %select_n3A_273 = arith.select %and3A_271, %add3A_272, %rem3A_263 : i32
        %eq3A_274 = arith.constant 2 : i32
        %eq3A_275 = arith.cmpi eq, %select_n3A_273, %eq3A_274 : i32
        %convert_element_type3A_276 = arith.extui %eq3A_275 : i1 to i32
        %cond3A_277 = arith.constant 0 : i32
        %cond3A_278 = arith.cmpi ne, %convert_element_type3A_276, %cond3A_277 : i32
        scf.if %cond3A_278 {
          %mul3A_300 = arith.constant 128 : i32
          %mul3A_301 = arith.muli %add3A_125, %mul3A_300 : i32
          %dma_start3A_302 = arith.constant 2 : i32
          %dma_start3A_303 = arith.constant 0 : i32
          %dma_start3A_304 = arith.constant 0 : i32
          %dma_start3A_305 = tpu.memref_slice %arg7[%dma_start3A_302, %dma_start3A_303, %dma_start3A_304] : memref<4x128x128xf32, #tpu.memory_space<vmem>> -> memref<1x128x128xf32, #tpu.memory_space<vmem>>
          %dma_start3A_306 = tpu.memref_squeeze %dma_start3A_305 : memref<1x128x128xf32, #tpu.memory_space<vmem>> -> memref<128x128xf32, #tpu.memory_space<vmem>>
          %dma_start3A_307 = tpu.memref_slice %arg6[%mul3A_301] : memref<16512xi32, #tpu.memory_space<vmem>> -> memref<128xi32, #tpu.memory_space<vmem>>
          %dma_start3A_308 = arith.constant 0 : i32
          %dma_start3A_309 = arith.constant 0 : i32
          %dma_start3A_310 = tpu.memref_slice %arg5[%dma_start3A_308, %dma_start3A_309] : memref<4096x128xf32, #tpu.memory_space<vmem_shared>> -> memref<4096x128xf32, #tpu.memory_space<vmem_shared>>
          tpu.enqueue_indirect_dma source(%dma_start3A_310 : memref<4096x128xf32, #tpu.memory_space<vmem_shared>>) target(%dma_start3A_306 : memref<128x128xf32, #tpu.memory_space<vmem>>) offsets(%dma_start3A_307 : memref<128xi32, #tpu.memory_space<vmem>>) semaphore(%arg10 : memref<!tpu.dma_semaphore, #tpu.memory_space<semaphore_mem>>)
        } else {
        }
        %jit3A_279 = arith.constant 4 : i32
        %eq3A_280 = arith.constant 0 : i32
        %eq3A_281 = arith.cmpi eq, %jit3A_279, %eq3A_280 : i32
        %jit3A_282 = arith.constant 1 : i32
        %select_n3A_283 = arith.select %eq3A_281, %jit3A_282, %jit3A_279 : i32
        %rem3A_284 = arith.remsi %add3A_125, %select_n3A_283 : i32
        %ne3A_285 = arith.constant 0 : i32
        %ne3A_286 = arith.cmpi ne, %rem3A_284, %ne3A_285 : i32
        %lt3A_287 = arith.constant 0 : i32
        %lt3A_288 = arith.cmpi slt, %rem3A_284, %lt3A_287 : i32
        %lt3A_289 = arith.constant 0 : i32
        %lt3A_290 = arith.cmpi slt, %select_n3A_283, %lt3A_289 : i32
        %ne3A_291 = arith.xori %lt3A_288, %lt3A_290 : i1
        %and3A_292 = arith.andi %ne3A_291, %ne3A_286 : i1
        %add3A_293 = arith.addi %rem3A_284, %select_n3A_283 : i32
        %select_n3A_294 = arith.select %and3A_292, %add3A_293, %rem3A_284 : i32
        %eq3A_295 = arith.constant 3 : i32
        %eq3A_296 = arith.cmpi eq, %select_n3A_294, %eq3A_295 : i32
        %convert_element_type3A_297 = arith.extui %eq3A_296 : i1 to i32
        %cond3A_298 = arith.constant 0 : i32
        %cond3A_299 = arith.cmpi ne, %convert_element_type3A_297, %cond3A_298 : i32
        scf.if %cond3A_299 {
          %mul3A_300 = arith.constant 128 : i32
          %mul3A_301 = arith.muli %add3A_125, %mul3A_300 : i32
          %dma_start3A_302 = arith.constant 3 : i32
          %dma_start3A_303 = arith.constant 0 : i32
          %dma_start3A_304 = arith.constant 0 : i32
          %dma_start3A_305 = tpu.memref_slice %arg7[%dma_start3A_302, %dma_start3A_303, %dma_start3A_304] : memref<4x128x128xf32, #tpu.memory_space<vmem>> -> memref<1x128x128xf32, #tpu.memory_space<vmem>>
          %dma_start3A_306 = tpu.memref_squeeze %dma_start3A_305 : memref<1x128x128xf32, #tpu.memory_space<vmem>> -> memref<128x128xf32, #tpu.memory_space<vmem>>
          %dma_start3A_307 = tpu.memref_slice %arg6[%mul3A_301] : memref<16512xi32, #tpu.memory_space<vmem>> -> memref<128xi32, #tpu.memory_space<vmem>>
          %dma_start3A_308 = arith.constant 0 : i32
          %dma_start3A_309 = arith.constant 0 : i32
          %dma_start3A_310 = tpu.memref_slice %arg5[%dma_start3A_308, %dma_start3A_309] : memref<4096x128xf32, #tpu.memory_space<vmem_shared>> -> memref<4096x128xf32, #tpu.memory_space<vmem_shared>>
          tpu.enqueue_indirect_dma source(%dma_start3A_310 : memref<4096x128xf32, #tpu.memory_space<vmem_shared>>) target(%dma_start3A_306 : memref<128x128xf32, #tpu.memory_space<vmem>>) offsets(%dma_start3A_307 : memref<128xi32, #tpu.memory_space<vmem>>) semaphore(%arg11 : memref<!tpu.dma_semaphore, #tpu.memory_space<semaphore_mem>>)
        } else {
        }
      } else {
      }
      %jit3A_135 = arith.constant 4 : i32
      %eq3A_136 = arith.constant 0 : i32
      %eq3A_137 = arith.cmpi eq, %jit3A_135, %eq3A_136 : i32
      %jit3A_138 = arith.constant 1 : i32
      %select_n3A_139 = arith.select %eq3A_137, %jit3A_138, %jit3A_135 : i32
      %rem3A = arith.remsi %while3A_123, %select_n3A_139 : i32
      %ne3A = arith.constant 0 : i32
      %ne3A_140 = arith.cmpi ne, %rem3A, %ne3A : i32
      %lt3A_141 = arith.constant 0 : i32
      %lt3A_142 = arith.cmpi slt, %rem3A, %lt3A_141 : i32
      %lt3A_143 = arith.constant 0 : i32
      %lt3A_144 = arith.cmpi slt, %select_n3A_139, %lt3A_143 : i32
      %ne3A_145 = arith.xori %lt3A_142, %lt3A_144 : i1
      %and3A = arith.andi %ne3A_145, %ne3A_140 : i1
      %add3A_146 = arith.addi %rem3A, %select_n3A_139 : i32
      %select_n3A_147 = arith.select %and3A, %add3A_146, %rem3A : i32
      %eq3A_148 = arith.constant 0 : i32
      %eq3A_149 = arith.cmpi eq, %select_n3A_147, %eq3A_148 : i32
      %convert_element_type3A_150 = arith.extui %eq3A_149 : i1 to i32
      %cond3A_151 = arith.constant 0 : i32
      %cond3A_152 = arith.cmpi ne, %convert_element_type3A_150, %cond3A_151 : i32
      scf.if %cond3A_152 {
        %mul3A_216 = arith.constant 128 : i32
        %mul3A_217 = arith.muli %while3A_123, %mul3A_216 : i32
        %dma_wait3A_218 = arith.constant 0 : i32
        %dma_wait3A_219 = arith.constant 0 : i32
        %dma_wait3A_220 = arith.constant 0 : i32
        %dma_wait3A_221 = tpu.memref_slice %arg7[%dma_wait3A_218, %dma_wait3A_219, %dma_wait3A_220] : memref<4x128x128xf32, #tpu.memory_space<vmem>> -> memref<1x128x128xf32, #tpu.memory_space<vmem>>
        %dma_wait3A_222 = tpu.memref_squeeze %dma_wait3A_221 : memref<1x128x128xf32, #tpu.memory_space<vmem>> -> memref<128x128xf32, #tpu.memory_space<vmem>>
        %dma_wait3A_223 = tpu.memref_slice %arg6[%mul3A_217] : memref<16512xi32, #tpu.memory_space<vmem>> -> memref<128xi32, #tpu.memory_space<vmem>>
        %dma_wait3A_224 = arith.constant 0 : i32
        %dma_wait3A_225 = arith.constant 0 : i32
        %dma_wait3A_226 = tpu.memref_slice %arg5[%dma_wait3A_224, %dma_wait3A_225] : memref<4096x128xf32, #tpu.memory_space<vmem_shared>> -> memref<4096x128xf32, #tpu.memory_space<vmem_shared>>
        tpu.wait_indirect_dma semaphore(%arg8 : memref<!tpu.dma_semaphore, #tpu.memory_space<semaphore_mem>>) src(%dma_wait3A_226 : memref<4096x128xf32, #tpu.memory_space<vmem_shared>>) dst(%dma_wait3A_222 : memref<128x128xf32, #tpu.memory_space<vmem>>)
        %mul3A_227 = arith.constant 128 : i32
        %mul3A_228 = arith.muli %while3A_123, %mul3A_227 : i32
        %add3A_229 = arith.addi %select_n3A_8, %mul3A_228 : i32
        %dma_start3A_230 = arith.constant 0 : i32
        %dma_start3A_231 = arith.constant 0 : i32
        %dma_start3A_232 = arith.constant 0 : i32
        %dma_start3A_233 = tpu.memref_slice %arg7[%dma_start3A_230, %dma_start3A_231, %dma_start3A_232] : memref<4x128x128xf32, #tpu.memory_space<vmem>> -> memref<1x128x128xf32, #tpu.memory_space<vmem>>
        %dma_start3A_234 = tpu.memref_squeeze %dma_start3A_233 : memref<1x128x128xf32, #tpu.memory_space<vmem>> -> memref<128x128xf32, #tpu.memory_space<vmem>>
        %dma_start3A_235 = arith.constant 0 : i32
        %dma_start3A_236 = tpu.memref_slice %arg4[%add3A_229, %dma_start3A_235] : memref<524288x128xf32, #tpu.memory_space<hbm>> -> memref<128x128xf32, #tpu.memory_space<hbm>>
        %dma_start3A_237 = arith.constant 0 : i32
        %dma_start3A_238 = tpu.memref_slice %arg4[%add3A_229, %dma_start3A_237] : memref<524288x128xf32, #tpu.memory_space<hbm>> -> memref<128x128xf32, #tpu.memory_space<hbm>>
        %dma_start3A_239 = arith.constant 0 : i32
        %dma_start3A_240 = arith.constant 0 : i32
        %dma_start3A_241 = tpu.memref_slice %arg7[%dma_start3A_230, %dma_start3A_239, %dma_start3A_240] : memref<4x128x128xf32, #tpu.memory_space<vmem>> -> memref<1x128x128xf32, #tpu.memory_space<vmem>>
        %dma_start3A_242 = tpu.memref_squeeze %dma_start3A_241 : memref<1x128x128xf32, #tpu.memory_space<vmem>> -> memref<128x128xf32, #tpu.memory_space<vmem>>
        tpu.enqueue_dma source(%dma_start3A_242 : memref<128x128xf32, #tpu.memory_space<vmem>>) target(%dma_start3A_238 : memref<128x128xf32, #tpu.memory_space<hbm>>) target_semaphore(%arg12 : memref<!tpu.dma_semaphore, #tpu.memory_space<semaphore_mem>>)
      } else {
      }
      %jit3A_153 = arith.constant 4 : i32
      %eq3A_154 = arith.constant 0 : i32
      %eq3A_155 = arith.cmpi eq, %jit3A_153, %eq3A_154 : i32
      %jit3A_156 = arith.constant 1 : i32
      %select_n3A_157 = arith.select %eq3A_155, %jit3A_156, %jit3A_153 : i32
      %rem3A_158 = arith.remsi %while3A_123, %select_n3A_157 : i32
      %ne3A_159 = arith.constant 0 : i32
      %ne3A_160 = arith.cmpi ne, %rem3A_158, %ne3A_159 : i32
      %lt3A_161 = arith.constant 0 : i32
      %lt3A_162 = arith.cmpi slt, %rem3A_158, %lt3A_161 : i32
      %lt3A_163 = arith.constant 0 : i32
      %lt3A_164 = arith.cmpi slt, %select_n3A_157, %lt3A_163 : i32
      %ne3A_165 = arith.xori %lt3A_162, %lt3A_164 : i1
      %and3A_166 = arith.andi %ne3A_165, %ne3A_160 : i1
      %add3A_167 = arith.addi %rem3A_158, %select_n3A_157 : i32
      %select_n3A_168 = arith.select %and3A_166, %add3A_167, %rem3A_158 : i32
      %eq3A_169 = arith.constant 1 : i32
      %eq3A_170 = arith.cmpi eq, %select_n3A_168, %eq3A_169 : i32
      %convert_element_type3A_171 = arith.extui %eq3A_170 : i1 to i32
      %cond3A_172 = arith.constant 0 : i32
      %cond3A_173 = arith.cmpi ne, %convert_element_type3A_171, %cond3A_172 : i32
      scf.if %cond3A_173 {
        %mul3A_216 = arith.constant 128 : i32
        %mul3A_217 = arith.muli %while3A_123, %mul3A_216 : i32
        %dma_wait3A_218 = arith.constant 1 : i32
        %dma_wait3A_219 = arith.constant 0 : i32
        %dma_wait3A_220 = arith.constant 0 : i32
        %dma_wait3A_221 = tpu.memref_slice %arg7[%dma_wait3A_218, %dma_wait3A_219, %dma_wait3A_220] : memref<4x128x128xf32, #tpu.memory_space<vmem>> -> memref<1x128x128xf32, #tpu.memory_space<vmem>>
        %dma_wait3A_222 = tpu.memref_squeeze %dma_wait3A_221 : memref<1x128x128xf32, #tpu.memory_space<vmem>> -> memref<128x128xf32, #tpu.memory_space<vmem>>
        %dma_wait3A_223 = tpu.memref_slice %arg6[%mul3A_217] : memref<16512xi32, #tpu.memory_space<vmem>> -> memref<128xi32, #tpu.memory_space<vmem>>
        %dma_wait3A_224 = arith.constant 0 : i32
        %dma_wait3A_225 = arith.constant 0 : i32
        %dma_wait3A_226 = tpu.memref_slice %arg5[%dma_wait3A_224, %dma_wait3A_225] : memref<4096x128xf32, #tpu.memory_space<vmem_shared>> -> memref<4096x128xf32, #tpu.memory_space<vmem_shared>>
        tpu.wait_indirect_dma semaphore(%arg9 : memref<!tpu.dma_semaphore, #tpu.memory_space<semaphore_mem>>) src(%dma_wait3A_226 : memref<4096x128xf32, #tpu.memory_space<vmem_shared>>) dst(%dma_wait3A_222 : memref<128x128xf32, #tpu.memory_space<vmem>>)
        %mul3A_227 = arith.constant 128 : i32
        %mul3A_228 = arith.muli %while3A_123, %mul3A_227 : i32
        %add3A_229 = arith.addi %select_n3A_8, %mul3A_228 : i32
        %dma_start3A_230 = arith.constant 1 : i32
        %dma_start3A_231 = arith.constant 0 : i32
        %dma_start3A_232 = arith.constant 0 : i32
        %dma_start3A_233 = tpu.memref_slice %arg7[%dma_start3A_230, %dma_start3A_231, %dma_start3A_232] : memref<4x128x128xf32, #tpu.memory_space<vmem>> -> memref<1x128x128xf32, #tpu.memory_space<vmem>>
        %dma_start3A_234 = tpu.memref_squeeze %dma_start3A_233 : memref<1x128x128xf32, #tpu.memory_space<vmem>> -> memref<128x128xf32, #tpu.memory_space<vmem>>
        %dma_start3A_235 = arith.constant 0 : i32
        %dma_start3A_236 = tpu.memref_slice %arg4[%add3A_229, %dma_start3A_235] : memref<524288x128xf32, #tpu.memory_space<hbm>> -> memref<128x128xf32, #tpu.memory_space<hbm>>
        %dma_start3A_237 = arith.constant 0 : i32
        %dma_start3A_238 = tpu.memref_slice %arg4[%add3A_229, %dma_start3A_237] : memref<524288x128xf32, #tpu.memory_space<hbm>> -> memref<128x128xf32, #tpu.memory_space<hbm>>
        %dma_start3A_239 = arith.constant 0 : i32
        %dma_start3A_240 = arith.constant 0 : i32
        %dma_start3A_241 = tpu.memref_slice %arg7[%dma_start3A_230, %dma_start3A_239, %dma_start3A_240] : memref<4x128x128xf32, #tpu.memory_space<vmem>> -> memref<1x128x128xf32, #tpu.memory_space<vmem>>
        %dma_start3A_242 = tpu.memref_squeeze %dma_start3A_241 : memref<1x128x128xf32, #tpu.memory_space<vmem>> -> memref<128x128xf32, #tpu.memory_space<vmem>>
        tpu.enqueue_dma source(%dma_start3A_242 : memref<128x128xf32, #tpu.memory_space<vmem>>) target(%dma_start3A_238 : memref<128x128xf32, #tpu.memory_space<hbm>>) target_semaphore(%arg13 : memref<!tpu.dma_semaphore, #tpu.memory_space<semaphore_mem>>)
      } else {
      }
      %jit3A_174 = arith.constant 4 : i32
      %eq3A_175 = arith.constant 0 : i32
      %eq3A_176 = arith.cmpi eq, %jit3A_174, %eq3A_175 : i32
      %jit3A_177 = arith.constant 1 : i32
      %select_n3A_178 = arith.select %eq3A_176, %jit3A_177, %jit3A_174 : i32
      %rem3A_179 = arith.remsi %while3A_123, %select_n3A_178 : i32
      %ne3A_180 = arith.constant 0 : i32
      %ne3A_181 = arith.cmpi ne, %rem3A_179, %ne3A_180 : i32
      %lt3A_182 = arith.constant 0 : i32
      %lt3A_183 = arith.cmpi slt, %rem3A_179, %lt3A_182 : i32
      %lt3A_184 = arith.constant 0 : i32
      %lt3A_185 = arith.cmpi slt, %select_n3A_178, %lt3A_184 : i32
      %ne3A_186 = arith.xori %lt3A_183, %lt3A_185 : i1
      %and3A_187 = arith.andi %ne3A_186, %ne3A_181 : i1
      %add3A_188 = arith.addi %rem3A_179, %select_n3A_178 : i32
      %select_n3A_189 = arith.select %and3A_187, %add3A_188, %rem3A_179 : i32
      %eq3A_190 = arith.constant 2 : i32
      %eq3A_191 = arith.cmpi eq, %select_n3A_189, %eq3A_190 : i32
      %convert_element_type3A_192 = arith.extui %eq3A_191 : i1 to i32
      %cond3A_193 = arith.constant 0 : i32
      %cond3A_194 = arith.cmpi ne, %convert_element_type3A_192, %cond3A_193 : i32
      scf.if %cond3A_194 {
        %mul3A_216 = arith.constant 128 : i32
        %mul3A_217 = arith.muli %while3A_123, %mul3A_216 : i32
        %dma_wait3A_218 = arith.constant 2 : i32
        %dma_wait3A_219 = arith.constant 0 : i32
        %dma_wait3A_220 = arith.constant 0 : i32
        %dma_wait3A_221 = tpu.memref_slice %arg7[%dma_wait3A_218, %dma_wait3A_219, %dma_wait3A_220] : memref<4x128x128xf32, #tpu.memory_space<vmem>> -> memref<1x128x128xf32, #tpu.memory_space<vmem>>
        %dma_wait3A_222 = tpu.memref_squeeze %dma_wait3A_221 : memref<1x128x128xf32, #tpu.memory_space<vmem>> -> memref<128x128xf32, #tpu.memory_space<vmem>>
        %dma_wait3A_223 = tpu.memref_slice %arg6[%mul3A_217] : memref<16512xi32, #tpu.memory_space<vmem>> -> memref<128xi32, #tpu.memory_space<vmem>>
        %dma_wait3A_224 = arith.constant 0 : i32
        %dma_wait3A_225 = arith.constant 0 : i32
        %dma_wait3A_226 = tpu.memref_slice %arg5[%dma_wait3A_224, %dma_wait3A_225] : memref<4096x128xf32, #tpu.memory_space<vmem_shared>> -> memref<4096x128xf32, #tpu.memory_space<vmem_shared>>
        tpu.wait_indirect_dma semaphore(%arg10 : memref<!tpu.dma_semaphore, #tpu.memory_space<semaphore_mem>>) src(%dma_wait3A_226 : memref<4096x128xf32, #tpu.memory_space<vmem_shared>>) dst(%dma_wait3A_222 : memref<128x128xf32, #tpu.memory_space<vmem>>)
        %mul3A_227 = arith.constant 128 : i32
        %mul3A_228 = arith.muli %while3A_123, %mul3A_227 : i32
        %add3A_229 = arith.addi %select_n3A_8, %mul3A_228 : i32
        %dma_start3A_230 = arith.constant 2 : i32
        %dma_start3A_231 = arith.constant 0 : i32
        %dma_start3A_232 = arith.constant 0 : i32
        %dma_start3A_233 = tpu.memref_slice %arg7[%dma_start3A_230, %dma_start3A_231, %dma_start3A_232] : memref<4x128x128xf32, #tpu.memory_space<vmem>> -> memref<1x128x128xf32, #tpu.memory_space<vmem>>
        %dma_start3A_234 = tpu.memref_squeeze %dma_start3A_233 : memref<1x128x128xf32, #tpu.memory_space<vmem>> -> memref<128x128xf32, #tpu.memory_space<vmem>>
        %dma_start3A_235 = arith.constant 0 : i32
        %dma_start3A_236 = tpu.memref_slice %arg4[%add3A_229, %dma_start3A_235] : memref<524288x128xf32, #tpu.memory_space<hbm>> -> memref<128x128xf32, #tpu.memory_space<hbm>>
        %dma_start3A_237 = arith.constant 0 : i32
        %dma_start3A_238 = tpu.memref_slice %arg4[%add3A_229, %dma_start3A_237] : memref<524288x128xf32, #tpu.memory_space<hbm>> -> memref<128x128xf32, #tpu.memory_space<hbm>>
        %dma_start3A_239 = arith.constant 0 : i32
        %dma_start3A_240 = arith.constant 0 : i32
        %dma_start3A_241 = tpu.memref_slice %arg7[%dma_start3A_230, %dma_start3A_239, %dma_start3A_240] : memref<4x128x128xf32, #tpu.memory_space<vmem>> -> memref<1x128x128xf32, #tpu.memory_space<vmem>>
        %dma_start3A_242 = tpu.memref_squeeze %dma_start3A_241 : memref<1x128x128xf32, #tpu.memory_space<vmem>> -> memref<128x128xf32, #tpu.memory_space<vmem>>
        tpu.enqueue_dma source(%dma_start3A_242 : memref<128x128xf32, #tpu.memory_space<vmem>>) target(%dma_start3A_238 : memref<128x128xf32, #tpu.memory_space<hbm>>) target_semaphore(%arg14 : memref<!tpu.dma_semaphore, #tpu.memory_space<semaphore_mem>>)
      } else {
      }
      %jit3A_195 = arith.constant 4 : i32
      %eq3A_196 = arith.constant 0 : i32
      %eq3A_197 = arith.cmpi eq, %jit3A_195, %eq3A_196 : i32
      %jit3A_198 = arith.constant 1 : i32
      %select_n3A_199 = arith.select %eq3A_197, %jit3A_198, %jit3A_195 : i32
      %rem3A_200 = arith.remsi %while3A_123, %select_n3A_199 : i32
      %ne3A_201 = arith.constant 0 : i32
      %ne3A_202 = arith.cmpi ne, %rem3A_200, %ne3A_201 : i32
      %lt3A_203 = arith.constant 0 : i32
      %lt3A_204 = arith.cmpi slt, %rem3A_200, %lt3A_203 : i32
      %lt3A_205 = arith.constant 0 : i32
      %lt3A_206 = arith.cmpi slt, %select_n3A_199, %lt3A_205 : i32
      %ne3A_207 = arith.xori %lt3A_204, %lt3A_206 : i1
      %and3A_208 = arith.andi %ne3A_207, %ne3A_202 : i1
      %add3A_209 = arith.addi %rem3A_200, %select_n3A_199 : i32
      %select_n3A_210 = arith.select %and3A_208, %add3A_209, %rem3A_200 : i32
      %eq3A_211 = arith.constant 3 : i32
      %eq3A_212 = arith.cmpi eq, %select_n3A_210, %eq3A_211 : i32
      %convert_element_type3A_213 = arith.extui %eq3A_212 : i1 to i32
      %cond3A_214 = arith.constant 0 : i32
      %cond3A_215 = arith.cmpi ne, %convert_element_type3A_213, %cond3A_214 : i32
      scf.if %cond3A_215 {
        %mul3A_216 = arith.constant 128 : i32
        %mul3A_217 = arith.muli %while3A_123, %mul3A_216 : i32
        %dma_wait3A_218 = arith.constant 3 : i32
        %dma_wait3A_219 = arith.constant 0 : i32
        %dma_wait3A_220 = arith.constant 0 : i32
        %dma_wait3A_221 = tpu.memref_slice %arg7[%dma_wait3A_218, %dma_wait3A_219, %dma_wait3A_220] : memref<4x128x128xf32, #tpu.memory_space<vmem>> -> memref<1x128x128xf32, #tpu.memory_space<vmem>>
        %dma_wait3A_222 = tpu.memref_squeeze %dma_wait3A_221 : memref<1x128x128xf32, #tpu.memory_space<vmem>> -> memref<128x128xf32, #tpu.memory_space<vmem>>
        %dma_wait3A_223 = tpu.memref_slice %arg6[%mul3A_217] : memref<16512xi32, #tpu.memory_space<vmem>> -> memref<128xi32, #tpu.memory_space<vmem>>
        %dma_wait3A_224 = arith.constant 0 : i32
        %dma_wait3A_225 = arith.constant 0 : i32
        %dma_wait3A_226 = tpu.memref_slice %arg5[%dma_wait3A_224, %dma_wait3A_225] : memref<4096x128xf32, #tpu.memory_space<vmem_shared>> -> memref<4096x128xf32, #tpu.memory_space<vmem_shared>>
        tpu.wait_indirect_dma semaphore(%arg11 : memref<!tpu.dma_semaphore, #tpu.memory_space<semaphore_mem>>) src(%dma_wait3A_226 : memref<4096x128xf32, #tpu.memory_space<vmem_shared>>) dst(%dma_wait3A_222 : memref<128x128xf32, #tpu.memory_space<vmem>>)
        %mul3A_227 = arith.constant 128 : i32
        %mul3A_228 = arith.muli %while3A_123, %mul3A_227 : i32
        %add3A_229 = arith.addi %select_n3A_8, %mul3A_228 : i32
        %dma_start3A_230 = arith.constant 3 : i32
        %dma_start3A_231 = arith.constant 0 : i32
        %dma_start3A_232 = arith.constant 0 : i32
        %dma_start3A_233 = tpu.memref_slice %arg7[%dma_start3A_230, %dma_start3A_231, %dma_start3A_232] : memref<4x128x128xf32, #tpu.memory_space<vmem>> -> memref<1x128x128xf32, #tpu.memory_space<vmem>>
        %dma_start3A_234 = tpu.memref_squeeze %dma_start3A_233 : memref<1x128x128xf32, #tpu.memory_space<vmem>> -> memref<128x128xf32, #tpu.memory_space<vmem>>
        %dma_start3A_235 = arith.constant 0 : i32
        %dma_start3A_236 = tpu.memref_slice %arg4[%add3A_229, %dma_start3A_235] : memref<524288x128xf32, #tpu.memory_space<hbm>> -> memref<128x128xf32, #tpu.memory_space<hbm>>
        %dma_start3A_237 = arith.constant 0 : i32
        %dma_start3A_238 = tpu.memref_slice %arg4[%add3A_229, %dma_start3A_237] : memref<524288x128xf32, #tpu.memory_space<hbm>> -> memref<128x128xf32, #tpu.memory_space<hbm>>
        %dma_start3A_239 = arith.constant 0 : i32
        %dma_start3A_240 = arith.constant 0 : i32
        %dma_start3A_241 = tpu.memref_slice %arg7[%dma_start3A_230, %dma_start3A_239, %dma_start3A_240] : memref<4x128x128xf32, #tpu.memory_space<vmem>> -> memref<1x128x128xf32, #tpu.memory_space<vmem>>
        %dma_start3A_242 = tpu.memref_squeeze %dma_start3A_241 : memref<1x128x128xf32, #tpu.memory_space<vmem>> -> memref<128x128xf32, #tpu.memory_space<vmem>>
        tpu.enqueue_dma source(%dma_start3A_242 : memref<128x128xf32, #tpu.memory_space<vmem>>) target(%dma_start3A_238 : memref<128x128xf32, #tpu.memory_space<hbm>>) target_semaphore(%arg15 : memref<!tpu.dma_semaphore, #tpu.memory_space<semaphore_mem>>)
      } else {
      }
    }
    %sub3A = arith.constant 2 : i32
    %sub3A_113 = arith.subi %select_n3A, %sub3A : i32
    %while3A_114 = arith.constant 0 : i32
    %while3A_115 = arith.subi %select_n3A, %sub3A_113 : i32
    %while3A_116 = arith.addi %sub3A_113, %while3A_115 : i32
    %while3A_117 = arith.constant 1 : i32
    %while3A_118 = arith.divsi %while3A_115, %while3A_117 : i32
    %while3A_119 = arith.muli %while3A_118, %while3A_117 : i32
    %while3A_120 = arith.addi %sub3A_113, %while3A_119 : i32
    %while3A_121 = arith.constant 1 : i32
    scf.for %while3A_123 = %sub3A_113 to %while3A_120 step %while3A_121  : i32 {
      %jit3A_124 = arith.constant 4 : i32
      %eq3A_125 = arith.constant 0 : i32
      %eq3A_126 = arith.cmpi eq, %jit3A_124, %eq3A_125 : i32
      %jit3A_127 = arith.constant 1 : i32
      %select_n3A_128 = arith.select %eq3A_126, %jit3A_127, %jit3A_124 : i32
      %rem3A = arith.remsi %while3A_123, %select_n3A_128 : i32
      %ne3A = arith.constant 0 : i32
      %ne3A_129 = arith.cmpi ne, %rem3A, %ne3A : i32
      %lt3A = arith.constant 0 : i32
      %lt3A_130 = arith.cmpi slt, %rem3A, %lt3A : i32
      %lt3A_131 = arith.constant 0 : i32
      %lt3A_132 = arith.cmpi slt, %select_n3A_128, %lt3A_131 : i32
      %ne3A_133 = arith.xori %lt3A_130, %lt3A_132 : i1
      %and3A = arith.andi %ne3A_133, %ne3A_129 : i1
      %add3A_134 = arith.addi %rem3A, %select_n3A_128 : i32
      %select_n3A_135 = arith.select %and3A, %add3A_134, %rem3A : i32
      %eq3A_136 = arith.constant 0 : i32
      %eq3A_137 = arith.cmpi eq, %select_n3A_135, %eq3A_136 : i32
      %convert_element_type3A_138 = arith.extui %eq3A_137 : i1 to i32
      %cond3A_139 = arith.constant 0 : i32
      %cond3A_140 = arith.cmpi ne, %convert_element_type3A_138, %cond3A_139 : i32
      scf.if %cond3A_140 {
        %mul3A_204 = arith.constant 128 : i32
        %mul3A_205 = arith.muli %while3A_123, %mul3A_204 : i32
        %add3A_206 = arith.addi %select_n3A_8, %mul3A_205 : i32
        %dma_wait3A_207 = arith.constant 0 : i32
        %dma_wait3A_208 = arith.constant 0 : i32
        %dma_wait3A_209 = arith.constant 0 : i32
        %dma_wait3A_210 = tpu.memref_slice %arg7[%dma_wait3A_207, %dma_wait3A_208, %dma_wait3A_209] : memref<4x128x128xf32, #tpu.memory_space<vmem>> -> memref<1x128x128xf32, #tpu.memory_space<vmem>>
        %dma_wait3A_211 = tpu.memref_squeeze %dma_wait3A_210 : memref<1x128x128xf32, #tpu.memory_space<vmem>> -> memref<128x128xf32, #tpu.memory_space<vmem>>
        %dma_wait3A_212 = arith.constant 0 : i32
        %dma_wait3A_213 = tpu.memref_slice %arg4[%add3A_206, %dma_wait3A_212] : memref<524288x128xf32, #tpu.memory_space<hbm>> -> memref<128x128xf32, #tpu.memory_space<hbm>>
        %dma_wait3A_214 = arith.constant 0 : i32
        %dma_wait3A_215 = tpu.memref_slice %arg4[%add3A_206, %dma_wait3A_214] : memref<524288x128xf32, #tpu.memory_space<hbm>> -> memref<128x128xf32, #tpu.memory_space<hbm>>
        %dma_wait3A_216 = arith.constant 0 : i32
        %dma_wait3A_217 = arith.constant 0 : i32
        %dma_wait3A_218 = tpu.memref_slice %arg7[%dma_wait3A_207, %dma_wait3A_216, %dma_wait3A_217] : memref<4x128x128xf32, #tpu.memory_space<vmem>> -> memref<1x128x128xf32, #tpu.memory_space<vmem>>
        %dma_wait3A_219 = tpu.memref_squeeze %dma_wait3A_218 : memref<1x128x128xf32, #tpu.memory_space<vmem>> -> memref<128x128xf32, #tpu.memory_space<vmem>>
        tpu.wait_dma2 semaphore(%arg12 : memref<!tpu.dma_semaphore, #tpu.memory_space<semaphore_mem>>) src(%dma_wait3A_219 : memref<128x128xf32, #tpu.memory_space<vmem>>) dst(%dma_wait3A_215 : memref<128x128xf32, #tpu.memory_space<hbm>>)
      } else {
      }
      %jit3A_141 = arith.constant 4 : i32
      %eq3A_142 = arith.constant 0 : i32
      %eq3A_143 = arith.cmpi eq, %jit3A_141, %eq3A_142 : i32
      %jit3A_144 = arith.constant 1 : i32
      %select_n3A_145 = arith.select %eq3A_143, %jit3A_144, %jit3A_141 : i32
      %rem3A_146 = arith.remsi %while3A_123, %select_n3A_145 : i32
      %ne3A_147 = arith.constant 0 : i32
      %ne3A_148 = arith.cmpi ne, %rem3A_146, %ne3A_147 : i32
      %lt3A_149 = arith.constant 0 : i32
      %lt3A_150 = arith.cmpi slt, %rem3A_146, %lt3A_149 : i32
      %lt3A_151 = arith.constant 0 : i32
      %lt3A_152 = arith.cmpi slt, %select_n3A_145, %lt3A_151 : i32
      %ne3A_153 = arith.xori %lt3A_150, %lt3A_152 : i1
      %and3A_154 = arith.andi %ne3A_153, %ne3A_148 : i1
      %add3A_155 = arith.addi %rem3A_146, %select_n3A_145 : i32
      %select_n3A_156 = arith.select %and3A_154, %add3A_155, %rem3A_146 : i32
      %eq3A_157 = arith.constant 1 : i32
      %eq3A_158 = arith.cmpi eq, %select_n3A_156, %eq3A_157 : i32
      %convert_element_type3A_159 = arith.extui %eq3A_158 : i1 to i32
      %cond3A_160 = arith.constant 0 : i32
      %cond3A_161 = arith.cmpi ne, %convert_element_type3A_159, %cond3A_160 : i32
      scf.if %cond3A_161 {
        %mul3A_204 = arith.constant 128 : i32
        %mul3A_205 = arith.muli %while3A_123, %mul3A_204 : i32
        %add3A_206 = arith.addi %select_n3A_8, %mul3A_205 : i32
        %dma_wait3A_207 = arith.constant 1 : i32
        %dma_wait3A_208 = arith.constant 0 : i32
        %dma_wait3A_209 = arith.constant 0 : i32
        %dma_wait3A_210 = tpu.memref_slice %arg7[%dma_wait3A_207, %dma_wait3A_208, %dma_wait3A_209] : memref<4x128x128xf32, #tpu.memory_space<vmem>> -> memref<1x128x128xf32, #tpu.memory_space<vmem>>
        %dma_wait3A_211 = tpu.memref_squeeze %dma_wait3A_210 : memref<1x128x128xf32, #tpu.memory_space<vmem>> -> memref<128x128xf32, #tpu.memory_space<vmem>>
        %dma_wait3A_212 = arith.constant 0 : i32
        %dma_wait3A_213 = tpu.memref_slice %arg4[%add3A_206, %dma_wait3A_212] : memref<524288x128xf32, #tpu.memory_space<hbm>> -> memref<128x128xf32, #tpu.memory_space<hbm>>
        %dma_wait3A_214 = arith.constant 0 : i32
        %dma_wait3A_215 = tpu.memref_slice %arg4[%add3A_206, %dma_wait3A_214] : memref<524288x128xf32, #tpu.memory_space<hbm>> -> memref<128x128xf32, #tpu.memory_space<hbm>>
        %dma_wait3A_216 = arith.constant 0 : i32
        %dma_wait3A_217 = arith.constant 0 : i32
        %dma_wait3A_218 = tpu.memref_slice %arg7[%dma_wait3A_207, %dma_wait3A_216, %dma_wait3A_217] : memref<4x128x128xf32, #tpu.memory_space<vmem>> -> memref<1x128x128xf32, #tpu.memory_space<vmem>>
        %dma_wait3A_219 = tpu.memref_squeeze %dma_wait3A_218 : memref<1x128x128xf32, #tpu.memory_space<vmem>> -> memref<128x128xf32, #tpu.memory_space<vmem>>
        tpu.wait_dma2 semaphore(%arg13 : memref<!tpu.dma_semaphore, #tpu.memory_space<semaphore_mem>>) src(%dma_wait3A_219 : memref<128x128xf32, #tpu.memory_space<vmem>>) dst(%dma_wait3A_215 : memref<128x128xf32, #tpu.memory_space<hbm>>)
      } else {
      }
      %jit3A_162 = arith.constant 4 : i32
      %eq3A_163 = arith.constant 0 : i32
      %eq3A_164 = arith.cmpi eq, %jit3A_162, %eq3A_163 : i32
      %jit3A_165 = arith.constant 1 : i32
      %select_n3A_166 = arith.select %eq3A_164, %jit3A_165, %jit3A_162 : i32
      %rem3A_167 = arith.remsi %while3A_123, %select_n3A_166 : i32
      %ne3A_168 = arith.constant 0 : i32
      %ne3A_169 = arith.cmpi ne, %rem3A_167, %ne3A_168 : i32
      %lt3A_170 = arith.constant 0 : i32
      %lt3A_171 = arith.cmpi slt, %rem3A_167, %lt3A_170 : i32
      %lt3A_172 = arith.constant 0 : i32
      %lt3A_173 = arith.cmpi slt, %select_n3A_166, %lt3A_172 : i32
      %ne3A_174 = arith.xori %lt3A_171, %lt3A_173 : i1
      %and3A_175 = arith.andi %ne3A_174, %ne3A_169 : i1
      %add3A_176 = arith.addi %rem3A_167, %select_n3A_166 : i32
      %select_n3A_177 = arith.select %and3A_175, %add3A_176, %rem3A_167 : i32
      %eq3A_178 = arith.constant 2 : i32
      %eq3A_179 = arith.cmpi eq, %select_n3A_177, %eq3A_178 : i32
      %convert_element_type3A_180 = arith.extui %eq3A_179 : i1 to i32
      %cond3A_181 = arith.constant 0 : i32
      %cond3A_182 = arith.cmpi ne, %convert_element_type3A_180, %cond3A_181 : i32
      scf.if %cond3A_182 {
        %mul3A_204 = arith.constant 128 : i32
        %mul3A_205 = arith.muli %while3A_123, %mul3A_204 : i32
        %add3A_206 = arith.addi %select_n3A_8, %mul3A_205 : i32
        %dma_wait3A_207 = arith.constant 2 : i32
        %dma_wait3A_208 = arith.constant 0 : i32
        %dma_wait3A_209 = arith.constant 0 : i32
        %dma_wait3A_210 = tpu.memref_slice %arg7[%dma_wait3A_207, %dma_wait3A_208, %dma_wait3A_209] : memref<4x128x128xf32, #tpu.memory_space<vmem>> -> memref<1x128x128xf32, #tpu.memory_space<vmem>>
        %dma_wait3A_211 = tpu.memref_squeeze %dma_wait3A_210 : memref<1x128x128xf32, #tpu.memory_space<vmem>> -> memref<128x128xf32, #tpu.memory_space<vmem>>
        %dma_wait3A_212 = arith.constant 0 : i32
        %dma_wait3A_213 = tpu.memref_slice %arg4[%add3A_206, %dma_wait3A_212] : memref<524288x128xf32, #tpu.memory_space<hbm>> -> memref<128x128xf32, #tpu.memory_space<hbm>>
        %dma_wait3A_214 = arith.constant 0 : i32
        %dma_wait3A_215 = tpu.memref_slice %arg4[%add3A_206, %dma_wait3A_214] : memref<524288x128xf32, #tpu.memory_space<hbm>> -> memref<128x128xf32, #tpu.memory_space<hbm>>
        %dma_wait3A_216 = arith.constant 0 : i32
        %dma_wait3A_217 = arith.constant 0 : i32
        %dma_wait3A_218 = tpu.memref_slice %arg7[%dma_wait3A_207, %dma_wait3A_216, %dma_wait3A_217] : memref<4x128x128xf32, #tpu.memory_space<vmem>> -> memref<1x128x128xf32, #tpu.memory_space<vmem>>
        %dma_wait3A_219 = tpu.memref_squeeze %dma_wait3A_218 : memref<1x128x128xf32, #tpu.memory_space<vmem>> -> memref<128x128xf32, #tpu.memory_space<vmem>>
        tpu.wait_dma2 semaphore(%arg14 : memref<!tpu.dma_semaphore, #tpu.memory_space<semaphore_mem>>) src(%dma_wait3A_219 : memref<128x128xf32, #tpu.memory_space<vmem>>) dst(%dma_wait3A_215 : memref<128x128xf32, #tpu.memory_space<hbm>>)
      } else {
      }
      %jit3A_183 = arith.constant 4 : i32
      %eq3A_184 = arith.constant 0 : i32
      %eq3A_185 = arith.cmpi eq, %jit3A_183, %eq3A_184 : i32
      %jit3A_186 = arith.constant 1 : i32
      %select_n3A_187 = arith.select %eq3A_185, %jit3A_186, %jit3A_183 : i32
      %rem3A_188 = arith.remsi %while3A_123, %select_n3A_187 : i32
      %ne3A_189 = arith.constant 0 : i32
      %ne3A_190 = arith.cmpi ne, %rem3A_188, %ne3A_189 : i32
      %lt3A_191 = arith.constant 0 : i32
      %lt3A_192 = arith.cmpi slt, %rem3A_188, %lt3A_191 : i32
      %lt3A_193 = arith.constant 0 : i32
      %lt3A_194 = arith.cmpi slt, %select_n3A_187, %lt3A_193 : i32
      %ne3A_195 = arith.xori %lt3A_192, %lt3A_194 : i1
      %and3A_196 = arith.andi %ne3A_195, %ne3A_190 : i1
      %add3A_197 = arith.addi %rem3A_188, %select_n3A_187 : i32
      %select_n3A_198 = arith.select %and3A_196, %add3A_197, %rem3A_188 : i32
      %eq3A_199 = arith.constant 3 : i32
      %eq3A_200 = arith.cmpi eq, %select_n3A_198, %eq3A_199 : i32
      %convert_element_type3A_201 = arith.extui %eq3A_200 : i1 to i32
      %cond3A_202 = arith.constant 0 : i32
      %cond3A_203 = arith.cmpi ne, %convert_element_type3A_201, %cond3A_202 : i32
      scf.if %cond3A_203 {
        %mul3A_204 = arith.constant 128 : i32
        %mul3A_205 = arith.muli %while3A_123, %mul3A_204 : i32
        %add3A_206 = arith.addi %select_n3A_8, %mul3A_205 : i32
        %dma_wait3A_207 = arith.constant 3 : i32
        %dma_wait3A_208 = arith.constant 0 : i32
        %dma_wait3A_209 = arith.constant 0 : i32
        %dma_wait3A_210 = tpu.memref_slice %arg7[%dma_wait3A_207, %dma_wait3A_208, %dma_wait3A_209] : memref<4x128x128xf32, #tpu.memory_space<vmem>> -> memref<1x128x128xf32, #tpu.memory_space<vmem>>
        %dma_wait3A_211 = tpu.memref_squeeze %dma_wait3A_210 : memref<1x128x128xf32, #tpu.memory_space<vmem>> -> memref<128x128xf32, #tpu.memory_space<vmem>>
        %dma_wait3A_212 = arith.constant 0 : i32
        %dma_wait3A_213 = tpu.memref_slice %arg4[%add3A_206, %dma_wait3A_212] : memref<524288x128xf32, #tpu.memory_space<hbm>> -> memref<128x128xf32, #tpu.memory_space<hbm>>
        %dma_wait3A_214 = arith.constant 0 : i32
        %dma_wait3A_215 = tpu.memref_slice %arg4[%add3A_206, %dma_wait3A_214] : memref<524288x128xf32, #tpu.memory_space<hbm>> -> memref<128x128xf32, #tpu.memory_space<hbm>>
        %dma_wait3A_216 = arith.constant 0 : i32
        %dma_wait3A_217 = arith.constant 0 : i32
        %dma_wait3A_218 = tpu.memref_slice %arg7[%dma_wait3A_207, %dma_wait3A_216, %dma_wait3A_217] : memref<4x128x128xf32, #tpu.memory_space<vmem>> -> memref<1x128x128xf32, #tpu.memory_space<vmem>>
        %dma_wait3A_219 = tpu.memref_squeeze %dma_wait3A_218 : memref<1x128x128xf32, #tpu.memory_space<vmem>> -> memref<128x128xf32, #tpu.memory_space<vmem>>
        tpu.wait_dma2 semaphore(%arg15 : memref<!tpu.dma_semaphore, #tpu.memory_space<semaphore_mem>>) src(%dma_wait3A_219 : memref<128x128xf32, #tpu.memory_space<vmem>>) dst(%dma_wait3A_215 : memref<128x128xf32, #tpu.memory_space<hbm>>)
      } else {
      }
    }
    %while3A_122 = arith.constant 1 : i32
    scf.for %while3A_123 = %while3A_120 to %while3A_116 step %while3A_122  : i32 {
      %jit3A_124 = arith.constant 4 : i32
      %eq3A_125 = arith.constant 0 : i32
      %eq3A_126 = arith.cmpi eq, %jit3A_124, %eq3A_125 : i32
      %jit3A_127 = arith.constant 1 : i32
      %select_n3A_128 = arith.select %eq3A_126, %jit3A_127, %jit3A_124 : i32
      %rem3A = arith.remsi %while3A_123, %select_n3A_128 : i32
      %ne3A = arith.constant 0 : i32
      %ne3A_129 = arith.cmpi ne, %rem3A, %ne3A : i32
      %lt3A = arith.constant 0 : i32
      %lt3A_130 = arith.cmpi slt, %rem3A, %lt3A : i32
      %lt3A_131 = arith.constant 0 : i32
      %lt3A_132 = arith.cmpi slt, %select_n3A_128, %lt3A_131 : i32
      %ne3A_133 = arith.xori %lt3A_130, %lt3A_132 : i1
      %and3A = arith.andi %ne3A_133, %ne3A_129 : i1
      %add3A_134 = arith.addi %rem3A, %select_n3A_128 : i32
      %select_n3A_135 = arith.select %and3A, %add3A_134, %rem3A : i32
      %eq3A_136 = arith.constant 0 : i32
      %eq3A_137 = arith.cmpi eq, %select_n3A_135, %eq3A_136 : i32
      %convert_element_type3A_138 = arith.extui %eq3A_137 : i1 to i32
      %cond3A_139 = arith.constant 0 : i32
      %cond3A_140 = arith.cmpi ne, %convert_element_type3A_138, %cond3A_139 : i32
      scf.if %cond3A_140 {
        %mul3A_204 = arith.constant 128 : i32
        %mul3A_205 = arith.muli %while3A_123, %mul3A_204 : i32
        %add3A_206 = arith.addi %select_n3A_8, %mul3A_205 : i32
        %dma_wait3A_207 = arith.constant 0 : i32
        %dma_wait3A_208 = arith.constant 0 : i32
        %dma_wait3A_209 = arith.constant 0 : i32
        %dma_wait3A_210 = tpu.memref_slice %arg7[%dma_wait3A_207, %dma_wait3A_208, %dma_wait3A_209] : memref<4x128x128xf32, #tpu.memory_space<vmem>> -> memref<1x128x128xf32, #tpu.memory_space<vmem>>
        %dma_wait3A_211 = tpu.memref_squeeze %dma_wait3A_210 : memref<1x128x128xf32, #tpu.memory_space<vmem>> -> memref<128x128xf32, #tpu.memory_space<vmem>>
        %dma_wait3A_212 = arith.constant 0 : i32
        %dma_wait3A_213 = tpu.memref_slice %arg4[%add3A_206, %dma_wait3A_212] : memref<524288x128xf32, #tpu.memory_space<hbm>> -> memref<128x128xf32, #tpu.memory_space<hbm>>
        %dma_wait3A_214 = arith.constant 0 : i32
        %dma_wait3A_215 = tpu.memref_slice %arg4[%add3A_206, %dma_wait3A_214] : memref<524288x128xf32, #tpu.memory_space<hbm>> -> memref<128x128xf32, #tpu.memory_space<hbm>>
        %dma_wait3A_216 = arith.constant 0 : i32
        %dma_wait3A_217 = arith.constant 0 : i32
        %dma_wait3A_218 = tpu.memref_slice %arg7[%dma_wait3A_207, %dma_wait3A_216, %dma_wait3A_217] : memref<4x128x128xf32, #tpu.memory_space<vmem>> -> memref<1x128x128xf32, #tpu.memory_space<vmem>>
        %dma_wait3A_219 = tpu.memref_squeeze %dma_wait3A_218 : memref<1x128x128xf32, #tpu.memory_space<vmem>> -> memref<128x128xf32, #tpu.memory_space<vmem>>
        tpu.wait_dma2 semaphore(%arg12 : memref<!tpu.dma_semaphore, #tpu.memory_space<semaphore_mem>>) src(%dma_wait3A_219 : memref<128x128xf32, #tpu.memory_space<vmem>>) dst(%dma_wait3A_215 : memref<128x128xf32, #tpu.memory_space<hbm>>)
      } else {
      }
      %jit3A_141 = arith.constant 4 : i32
      %eq3A_142 = arith.constant 0 : i32
      %eq3A_143 = arith.cmpi eq, %jit3A_141, %eq3A_142 : i32
      %jit3A_144 = arith.constant 1 : i32
      %select_n3A_145 = arith.select %eq3A_143, %jit3A_144, %jit3A_141 : i32
      %rem3A_146 = arith.remsi %while3A_123, %select_n3A_145 : i32
      %ne3A_147 = arith.constant 0 : i32
      %ne3A_148 = arith.cmpi ne, %rem3A_146, %ne3A_147 : i32
      %lt3A_149 = arith.constant 0 : i32
      %lt3A_150 = arith.cmpi slt, %rem3A_146, %lt3A_149 : i32
      %lt3A_151 = arith.constant 0 : i32
      %lt3A_152 = arith.cmpi slt, %select_n3A_145, %lt3A_151 : i32
      %ne3A_153 = arith.xori %lt3A_150, %lt3A_152 : i1
      %and3A_154 = arith.andi %ne3A_153, %ne3A_148 : i1
      %add3A_155 = arith.addi %rem3A_146, %select_n3A_145 : i32
      %select_n3A_156 = arith.select %and3A_154, %add3A_155, %rem3A_146 : i32
      %eq3A_157 = arith.constant 1 : i32
      %eq3A_158 = arith.cmpi eq, %select_n3A_156, %eq3A_157 : i32
      %convert_element_type3A_159 = arith.extui %eq3A_158 : i1 to i32
      %cond3A_160 = arith.constant 0 : i32
      %cond3A_161 = arith.cmpi ne, %convert_element_type3A_159, %cond3A_160 : i32
      scf.if %cond3A_161 {
        %mul3A_204 = arith.constant 128 : i32
        %mul3A_205 = arith.muli %while3A_123, %mul3A_204 : i32
        %add3A_206 = arith.addi %select_n3A_8, %mul3A_205 : i32
        %dma_wait3A_207 = arith.constant 1 : i32
        %dma_wait3A_208 = arith.constant 0 : i32
        %dma_wait3A_209 = arith.constant 0 : i32
        %dma_wait3A_210 = tpu.memref_slice %arg7[%dma_wait3A_207, %dma_wait3A_208, %dma_wait3A_209] : memref<4x128x128xf32, #tpu.memory_space<vmem>> -> memref<1x128x128xf32, #tpu.memory_space<vmem>>
        %dma_wait3A_211 = tpu.memref_squeeze %dma_wait3A_210 : memref<1x128x128xf32, #tpu.memory_space<vmem>> -> memref<128x128xf32, #tpu.memory_space<vmem>>
        %dma_wait3A_212 = arith.constant 0 : i32
        %dma_wait3A_213 = tpu.memref_slice %arg4[%add3A_206, %dma_wait3A_212] : memref<524288x128xf32, #tpu.memory_space<hbm>> -> memref<128x128xf32, #tpu.memory_space<hbm>>
        %dma_wait3A_214 = arith.constant 0 : i32
        %dma_wait3A_215 = tpu.memref_slice %arg4[%add3A_206, %dma_wait3A_214] : memref<524288x128xf32, #tpu.memory_space<hbm>> -> memref<128x128xf32, #tpu.memory_space<hbm>>
        %dma_wait3A_216 = arith.constant 0 : i32
        %dma_wait3A_217 = arith.constant 0 : i32
        %dma_wait3A_218 = tpu.memref_slice %arg7[%dma_wait3A_207, %dma_wait3A_216, %dma_wait3A_217] : memref<4x128x128xf32, #tpu.memory_space<vmem>> -> memref<1x128x128xf32, #tpu.memory_space<vmem>>
        %dma_wait3A_219 = tpu.memref_squeeze %dma_wait3A_218 : memref<1x128x128xf32, #tpu.memory_space<vmem>> -> memref<128x128xf32, #tpu.memory_space<vmem>>
        tpu.wait_dma2 semaphore(%arg13 : memref<!tpu.dma_semaphore, #tpu.memory_space<semaphore_mem>>) src(%dma_wait3A_219 : memref<128x128xf32, #tpu.memory_space<vmem>>) dst(%dma_wait3A_215 : memref<128x128xf32, #tpu.memory_space<hbm>>)
      } else {
      }
      %jit3A_162 = arith.constant 4 : i32
      %eq3A_163 = arith.constant 0 : i32
      %eq3A_164 = arith.cmpi eq, %jit3A_162, %eq3A_163 : i32
      %jit3A_165 = arith.constant 1 : i32
      %select_n3A_166 = arith.select %eq3A_164, %jit3A_165, %jit3A_162 : i32
      %rem3A_167 = arith.remsi %while3A_123, %select_n3A_166 : i32
      %ne3A_168 = arith.constant 0 : i32
      %ne3A_169 = arith.cmpi ne, %rem3A_167, %ne3A_168 : i32
      %lt3A_170 = arith.constant 0 : i32
      %lt3A_171 = arith.cmpi slt, %rem3A_167, %lt3A_170 : i32
      %lt3A_172 = arith.constant 0 : i32
      %lt3A_173 = arith.cmpi slt, %select_n3A_166, %lt3A_172 : i32
      %ne3A_174 = arith.xori %lt3A_171, %lt3A_173 : i1
      %and3A_175 = arith.andi %ne3A_174, %ne3A_169 : i1
      %add3A_176 = arith.addi %rem3A_167, %select_n3A_166 : i32
      %select_n3A_177 = arith.select %and3A_175, %add3A_176, %rem3A_167 : i32
      %eq3A_178 = arith.constant 2 : i32
      %eq3A_179 = arith.cmpi eq, %select_n3A_177, %eq3A_178 : i32
      %convert_element_type3A_180 = arith.extui %eq3A_179 : i1 to i32
      %cond3A_181 = arith.constant 0 : i32
      %cond3A_182 = arith.cmpi ne, %convert_element_type3A_180, %cond3A_181 : i32
      scf.if %cond3A_182 {
        %mul3A_204 = arith.constant 128 : i32
        %mul3A_205 = arith.muli %while3A_123, %mul3A_204 : i32
        %add3A_206 = arith.addi %select_n3A_8, %mul3A_205 : i32
        %dma_wait3A_207 = arith.constant 2 : i32
        %dma_wait3A_208 = arith.constant 0 : i32
        %dma_wait3A_209 = arith.constant 0 : i32
        %dma_wait3A_210 = tpu.memref_slice %arg7[%dma_wait3A_207, %dma_wait3A_208, %dma_wait3A_209] : memref<4x128x128xf32, #tpu.memory_space<vmem>> -> memref<1x128x128xf32, #tpu.memory_space<vmem>>
        %dma_wait3A_211 = tpu.memref_squeeze %dma_wait3A_210 : memref<1x128x128xf32, #tpu.memory_space<vmem>> -> memref<128x128xf32, #tpu.memory_space<vmem>>
        %dma_wait3A_212 = arith.constant 0 : i32
        %dma_wait3A_213 = tpu.memref_slice %arg4[%add3A_206, %dma_wait3A_212] : memref<524288x128xf32, #tpu.memory_space<hbm>> -> memref<128x128xf32, #tpu.memory_space<hbm>>
        %dma_wait3A_214 = arith.constant 0 : i32
        %dma_wait3A_215 = tpu.memref_slice %arg4[%add3A_206, %dma_wait3A_214] : memref<524288x128xf32, #tpu.memory_space<hbm>> -> memref<128x128xf32, #tpu.memory_space<hbm>>
        %dma_wait3A_216 = arith.constant 0 : i32
        %dma_wait3A_217 = arith.constant 0 : i32
        %dma_wait3A_218 = tpu.memref_slice %arg7[%dma_wait3A_207, %dma_wait3A_216, %dma_wait3A_217] : memref<4x128x128xf32, #tpu.memory_space<vmem>> -> memref<1x128x128xf32, #tpu.memory_space<vmem>>
        %dma_wait3A_219 = tpu.memref_squeeze %dma_wait3A_218 : memref<1x128x128xf32, #tpu.memory_space<vmem>> -> memref<128x128xf32, #tpu.memory_space<vmem>>
        tpu.wait_dma2 semaphore(%arg14 : memref<!tpu.dma_semaphore, #tpu.memory_space<semaphore_mem>>) src(%dma_wait3A_219 : memref<128x128xf32, #tpu.memory_space<vmem>>) dst(%dma_wait3A_215 : memref<128x128xf32, #tpu.memory_space<hbm>>)
      } else {
      }
      %jit3A_183 = arith.constant 4 : i32
      %eq3A_184 = arith.constant 0 : i32
      %eq3A_185 = arith.cmpi eq, %jit3A_183, %eq3A_184 : i32
      %jit3A_186 = arith.constant 1 : i32
      %select_n3A_187 = arith.select %eq3A_185, %jit3A_186, %jit3A_183 : i32
      %rem3A_188 = arith.remsi %while3A_123, %select_n3A_187 : i32
      %ne3A_189 = arith.constant 0 : i32
      %ne3A_190 = arith.cmpi ne, %rem3A_188, %ne3A_189 : i32
      %lt3A_191 = arith.constant 0 : i32
      %lt3A_192 = arith.cmpi slt, %rem3A_188, %lt3A_191 : i32
      %lt3A_193 = arith.constant 0 : i32
      %lt3A_194 = arith.cmpi slt, %select_n3A_187, %lt3A_193 : i32
      %ne3A_195 = arith.xori %lt3A_192, %lt3A_194 : i1
      %and3A_196 = arith.andi %ne3A_195, %ne3A_190 : i1
      %add3A_197 = arith.addi %rem3A_188, %select_n3A_187 : i32
      %select_n3A_198 = arith.select %and3A_196, %add3A_197, %rem3A_188 : i32
      %eq3A_199 = arith.constant 3 : i32
      %eq3A_200 = arith.cmpi eq, %select_n3A_198, %eq3A_199 : i32
      %convert_element_type3A_201 = arith.extui %eq3A_200 : i1 to i32
      %cond3A_202 = arith.constant 0 : i32
      %cond3A_203 = arith.cmpi ne, %convert_element_type3A_201, %cond3A_202 : i32
      scf.if %cond3A_203 {
        %mul3A_204 = arith.constant 128 : i32
        %mul3A_205 = arith.muli %while3A_123, %mul3A_204 : i32
        %add3A_206 = arith.addi %select_n3A_8, %mul3A_205 : i32
        %dma_wait3A_207 = arith.constant 3 : i32
        %dma_wait3A_208 = arith.constant 0 : i32
        %dma_wait3A_209 = arith.constant 0 : i32
        %dma_wait3A_210 = tpu.memref_slice %arg7[%dma_wait3A_207, %dma_wait3A_208, %dma_wait3A_209] : memref<4x128x128xf32, #tpu.memory_space<vmem>> -> memref<1x128x128xf32, #tpu.memory_space<vmem>>
        %dma_wait3A_211 = tpu.memref_squeeze %dma_wait3A_210 : memref<1x128x128xf32, #tpu.memory_space<vmem>> -> memref<128x128xf32, #tpu.memory_space<vmem>>
        %dma_wait3A_212 = arith.constant 0 : i32
        %dma_wait3A_213 = tpu.memref_slice %arg4[%add3A_206, %dma_wait3A_212] : memref<524288x128xf32, #tpu.memory_space<hbm>> -> memref<128x128xf32, #tpu.memory_space<hbm>>
        %dma_wait3A_214 = arith.constant 0 : i32
        %dma_wait3A_215 = tpu.memref_slice %arg4[%add3A_206, %dma_wait3A_214] : memref<524288x128xf32, #tpu.memory_space<hbm>> -> memref<128x128xf32, #tpu.memory_space<hbm>>
        %dma_wait3A_216 = arith.constant 0 : i32
        %dma_wait3A_217 = arith.constant 0 : i32
        %dma_wait3A_218 = tpu.memref_slice %arg7[%dma_wait3A_207, %dma_wait3A_216, %dma_wait3A_217] : memref<4x128x128xf32, #tpu.memory_space<vmem>> -> memref<1x128x128xf32, #tpu.memory_space<vmem>>
        %dma_wait3A_219 = tpu.memref_squeeze %dma_wait3A_218 : memref<1x128x128xf32, #tpu.memory_space<vmem>> -> memref<128x128xf32, #tpu.memory_space<vmem>>
        tpu.wait_dma2 semaphore(%arg15 : memref<!tpu.dma_semaphore, #tpu.memory_space<semaphore_mem>>) src(%dma_wait3A_219 : memref<128x128xf32, #tpu.memory_space<vmem>>) dst(%dma_wait3A_215 : memref<128x128xf32, #tpu.memory_space<hbm>>)
      } else {
      }
    }
    return
  }
}

module attributes {stable_mosaic.version = 14 : i64} {
  func.func @_mlp_body(%arg0: memref<4096x1xi8, #tpu.memory_space<vmem>>, %arg1: memref<4096x1xi8, #tpu.memory_space<vmem>>, %arg2: memref<21x128xf32, #tpu.memory_space<vmem>>, %arg3: memref<10x128xf32, #tpu.memory_space<vmem>>, %arg4: memref<256x128xf32, #tpu.memory_space<vmem>>, %arg5: memref<1x128xf32, #tpu.memory_space<vmem>>, %arg6: memref<128x128xf32, #tpu.memory_space<vmem>>, %arg7: memref<1x128xf32, #tpu.memory_space<vmem>>, %arg8: memref<4096x128xf32, #tpu.memory_space<vmem>>) attributes {dimension_semantics = [], scalar_prefetch = 0 : i64, scratch_operands = 0 : i64, tpu.core_type = #tpu.core_type<tc>} {
    %get3A = arith.constant 0 : index
    %get3A_0 = arith.constant 0 : index
    %get3A_1 = vector.load %arg0[%get3A, %get3A_0] : memref<4096x1xi8, #tpu.memory_space<vmem>>, vector<4096x1xi8>
    %convert_element_type3A = arith.extsi %get3A_1 : vector<4096x1xi8> to vector<4096x1xi32>
    %get3A_2 = arith.constant 0 : index
    %get3A_3 = arith.constant 0 : index
    %get3A_4 = vector.load %arg1[%get3A_2, %get3A_3] : memref<4096x1xi8, #tpu.memory_space<vmem>>, vector<4096x1xi8>
    %convert_element_type3A_5 = arith.extsi %get3A_4 : vector<4096x1xi8> to vector<4096x1xi32>
    %iota3A = tpu.iota {dimensions = array<i32: 1>} : vector<4096x21xi32>
    %add3A = arith.constant 10 : i32
    %add3A_6 = vector.broadcast %add3A : i32 to vector<4096x1xi32>
    %add3A_7 = arith.addi %convert_element_type3A, %add3A_6 : vector<4096x1xi32>
    %eq3A = vector.broadcast %add3A_7 : vector<4096x1xi32> to vector<4096x21xi32>
    %eq3A_8 = arith.cmpi eq, %eq3A, %iota3A : vector<4096x21xi32>
    %convert_element_type3A_9 = arith.extui %eq3A_8 : vector<4096x21xi1> to vector<4096x21xi32>
    %convert_element_type3A_10 = arith.sitofp %convert_element_type3A_9 : vector<4096x21xi32> to vector<4096x21xf32>
    %get3A_11 = arith.constant 0 : index
    %get3A_12 = arith.constant 0 : index
    %get3A_13 = vector.load %arg2[%get3A_11, %get3A_12] : memref<21x128xf32, #tpu.memory_space<vmem>>, vector<21x128xf32>
    %dot_general3A = arith.constant dense<0.000000e+00> : vector<4096x128xf32>
    %dot_general3A_14 = tpu.matmul %convert_element_type3A_10, %get3A_13, %dot_general3A {dimension_numbers = #tpu.dot_dimension_numbers<[1], [0], [0], [1], [0, 0, 1, 1], [], []>, transpose_lhs_hint = false} : vector<4096x21xf32>, vector<21x128xf32>, vector<4096x128xf32> -> vector<4096x128xf32>
    %iota3A_15 = tpu.iota {dimensions = array<i32: 1>} : vector<4096x10xi32>
    %sub3A = arith.constant 1 : i32
    %sub3A_16 = vector.broadcast %sub3A : i32 to vector<4096x1xi32>
    %sub3A_17 = arith.subi %convert_element_type3A_5, %sub3A_16 : vector<4096x1xi32>
    %eq3A_18 = vector.broadcast %sub3A_17 : vector<4096x1xi32> to vector<4096x10xi32>
    %eq3A_19 = arith.cmpi eq, %eq3A_18, %iota3A_15 : vector<4096x10xi32>
    %convert_element_type3A_20 = arith.extui %eq3A_19 : vector<4096x10xi1> to vector<4096x10xi32>
    %convert_element_type3A_21 = arith.sitofp %convert_element_type3A_20 : vector<4096x10xi32> to vector<4096x10xf32>
    %get3A_22 = arith.constant 0 : index
    %get3A_23 = arith.constant 0 : index
    %get3A_24 = vector.load %arg3[%get3A_22, %get3A_23] : memref<10x128xf32, #tpu.memory_space<vmem>>, vector<10x128xf32>
    %dot_general3A_25 = arith.constant dense<0.000000e+00> : vector<4096x128xf32>
    %dot_general3A_26 = tpu.matmul %convert_element_type3A_21, %get3A_24, %dot_general3A_25 {dimension_numbers = #tpu.dot_dimension_numbers<[1], [0], [0], [1], [0, 0, 1, 1], [], []>, transpose_lhs_hint = false} : vector<4096x10xf32>, vector<10x128xf32>, vector<4096x128xf32> -> vector<4096x128xf32>
    %get3A_27 = arith.constant 0 : index
    %get3A_28 = arith.constant 0 : index
    %get3A_29 = vector.load %arg4[%get3A_27, %get3A_28] : memref<256x128xf32, #tpu.memory_space<vmem>>, vector<128x128xf32>
    %dot_general3A_30 = arith.constant dense<0.000000e+00> : vector<4096x128xf32>
    %dot_general3A_31 = tpu.matmul %dot_general3A_14, %get3A_29, %dot_general3A_30 {dimension_numbers = #tpu.dot_dimension_numbers<[1], [0], [0], [1], [0, 0, 1, 1], [], []>, transpose_lhs_hint = false} : vector<4096x128xf32>, vector<128x128xf32>, vector<4096x128xf32> -> vector<4096x128xf32>
    %get3A_32 = arith.constant 128 : index
    %get3A_33 = arith.constant 0 : index
    %get3A_34 = vector.load %arg4[%get3A_32, %get3A_33] : memref<256x128xf32, #tpu.memory_space<vmem>>, vector<128x128xf32>
    %dot_general3A_35 = arith.constant dense<0.000000e+00> : vector<4096x128xf32>
    %dot_general3A_36 = tpu.matmul %dot_general3A_26, %get3A_34, %dot_general3A_35 {dimension_numbers = #tpu.dot_dimension_numbers<[1], [0], [0], [1], [0, 0, 1, 1], [], []>, transpose_lhs_hint = false} : vector<4096x128xf32>, vector<128x128xf32>, vector<4096x128xf32> -> vector<4096x128xf32>
    %add3A_37 = arith.addf %dot_general3A_31, %dot_general3A_36 : vector<4096x128xf32>
    %get3A_38 = arith.constant 0 : index
    %get3A_39 = arith.constant 0 : index
    %get3A_40 = vector.load %arg5[%get3A_38, %get3A_39] : memref<1x128xf32, #tpu.memory_space<vmem>>, vector<1x128xf32>
    %add3A_41 = vector.broadcast %get3A_40 : vector<1x128xf32> to vector<4096x128xf32>
    %add3A_42 = arith.addf %add3A_37, %add3A_41 : vector<4096x128xf32>
    %logistic3A = arith.negf %add3A_42 : vector<4096x128xf32>
    %logistic3A_43 = math.exp %logistic3A : vector<4096x128xf32>
    %logistic3A_44 = arith.constant 1.000000e+00 : f32
    %logistic3A_45 = vector.broadcast %logistic3A_44 : f32 to vector<4096x128xf32>
    %logistic3A_46 = arith.addf %logistic3A_45, %logistic3A_43 : vector<4096x128xf32>
    %logistic3A_47 = arith.divf %logistic3A_45, %logistic3A_46 : vector<4096x128xf32>
    %mul3A = arith.mulf %add3A_42, %logistic3A_47 : vector<4096x128xf32>
    %get3A_48 = arith.constant 0 : index
    %get3A_49 = arith.constant 0 : index
    %get3A_50 = vector.load %arg6[%get3A_48, %get3A_49] : memref<128x128xf32, #tpu.memory_space<vmem>>, vector<128x128xf32>
    %dot_general3A_51 = arith.constant dense<0.000000e+00> : vector<4096x128xf32>
    %dot_general3A_52 = tpu.matmul %mul3A, %get3A_50, %dot_general3A_51 {dimension_numbers = #tpu.dot_dimension_numbers<[1], [0], [0], [1], [0, 0, 1, 1], [], []>, transpose_lhs_hint = false} : vector<4096x128xf32>, vector<128x128xf32>, vector<4096x128xf32> -> vector<4096x128xf32>
    %get3A_53 = arith.constant 0 : index
    %get3A_54 = arith.constant 0 : index
    %get3A_55 = vector.load %arg7[%get3A_53, %get3A_54] : memref<1x128xf32, #tpu.memory_space<vmem>>, vector<1x128xf32>
    %add3A_56 = vector.broadcast %get3A_55 : vector<1x128xf32> to vector<4096x128xf32>
    %add3A_57 = arith.addf %dot_general3A_52, %add3A_56 : vector<4096x128xf32>
    %swap3A = arith.constant 0 : index
    %swap3A_58 = arith.constant 0 : index
    %swap3A_59 = vector.load %arg8[%swap3A, %swap3A_58] : memref<4096x128xf32, #tpu.memory_space<vmem>>, vector<4096x128xf32>
    tpu.vector_store %arg8[%swap3A, %swap3A_58], %add3A_57 {strides = array<i32>} : memref<4096x128xf32, #tpu.memory_space<vmem>>, vector<4096x128xf32>,
    return
  }
}

</mosaic_0001>

<sc_bundles>
// kernel: kernel.4.cloned.1.call-start
scs
__scs_entry_jumppad:
0x0: {  	(pc) =	sbr.rel $0x88, $3  }
0x1: {  	(tag) =	ssettag $0x0;
	lr =	simm.s32 $0x1  }
0x2: {  	[smem:$0x3F98] =	sst lr;
	_ =	strace $0xD0000000  }
0x3: {  	_ = 	snop  }
0x4: {  	_ = 	snop  }
0x5: {  	_ = 	snop  }
0x6: {  	_ = 	snop  }
0x7: {  	_ = 	snop  }
__scs_overlays_trampoline_lowered:
0x8: {  	[smem:$0x3FA7] =	sst s0  }
0x9: {  	[smem:$0x3FA8] =	sst s1  }
0xa: {  	[smem:$0x3FA9] =	sst s2  }
0xb: {  	[smem:$0x3FAA] =	sst s3  }
0xc: {  	[smem:$0x3FAB] =	sst s4  }
0xd: {  	[smem:$0x3FAC] =	sst s5  }
0xe: {  	[smem:$0x3FAD] =	sst s6  }
0xf: {  	[smem:$0x3FAE] =	sst s7  }
0x10: {  	[smem:$0x3FAF] =	sst s8  }
0x11: {  	[smem:$0x3FB0] =	sst s9;
	s0 =	simm.s32 @!p0 $0x0  }
0x12: {  	s1 =	sld [smem:$0x3F96];
	s0 =	simm.s32 @p0 $0x1  }
0x13: {  	[smem:$0x3FB1] =	sst s0;
	s0 =	simm.s32 @!p1 $0x0  }
0x14: {  	s2 =	sld [smem:$0x3F95];
	s0 =	simm.s32 @p1 $0x1  }
0x15: {  	[smem:$0x3FB2] =	sst s0;
	s0 =	simm.s32 @!p2 $0x0  }
0x16: {  	s3 =	sld [smem:$0x3FDB];
	s0 =	simm.s32 @p2 $0x1  }
0x17: {  	s4 =	simm.s32 $0x1BF5;
	[smem:$0x3FB4] =	sst s0  }
0x18: {  	s0 =	sld [smem:$0x3F97];
	_ =	swait.ge [sflag:s4], $0x0  }
0x19: {  	s7 =	sld [smem:$0x3F98]  }
0x1a: {  	s8 =	sadd.s32 $0xFFFFE003, lr  }
0x1b: {  	s9 =	sadd.s32 $0xFFFFFEF7, lr;
	s5 =	simm.s32 $0xFFFFFFFF;
	p2 =	slt.u32 s8, $0xFFFFF086  }
0x1c: {  	p1 =	slt.u32 s9, $0xF7A;
	s5 =	simm.s32 @!p2 $0x0  }
0x1d: {  	s5 =	simm.s32 @p1 $0x1;
	p0 =	seq.s32 s7, s2  }
0x1e: {  	s7 =	smul.u32 @!p0 $0xF7A, s2;
	p2 =	seq.s32 @!p0 s5, $0x0  }
0x1f: {  	s9 =	smul.u32 $0xF7A, s1;
	s8 =	simm.s32 @!p0 $0x1BF5;
	p2 =	por !p2, p0  }
0x20: {  	[sflag:s8] =	ssyncset.s32 @!p0 $0xFFFFF086;
	s6 =	sadd.s32 @!p0 s3, s7;
	s7 =	simm.s32 @!p0 $0x108  }
0x21: {  	s3 =	sadd.s32 s3, s9;
	s6 =	sadd.s32 @!p0 $0x88, s6;
	s7 =	simm.s32 @p2 $0x1082  }
0x22: {  	[simem:s7], [sflag:s8] =	dma.local @!p0 [hbm:s6], $0xF7A  }
0x23: {  	s9 =	sor.u32 $0xD0000000, s2;
	s6 =	simm.s32 $0x108;
	_ =	swait.ge @!p0 [sflag:s8], $0x0  }
0x24: {  	s3 =	sadd.s32 $0x88, s3;
	s6 =	simm.s32 @!p1 $0x1082;
	[sflag:s4] =	ssyncset.s32 $0xFFFFF086  }
0x25: {  	[simem:s6], [sflag:s4] =	dma.local [hbm:s3], $0xF7A  }
0x26: {  	[smem:$0x3F98] =	sst s1;
	(tag) =	ssettag s2;
	_ =	strace s9  }
0x27: {  	s1 =	sld [smem:$0x3FA8]  }
0x28: {  	s2 =	sld [smem:$0x3FA9]  }
0x29: {  	s4 =	sld [smem:$0x3FAB]  }
0x2a: {  	p0 =	seq.s32 s5, $0x0;
	s5 =	sld [smem:$0x3FAC]  }
0x2b: {  	s6 =	sld [smem:$0x3FAD]  }
0x2c: {  	s7 =	sld [smem:$0x3FAE]  }
0x2d: {  	s3 =	simm.s32 $0x108;
	s8 =	sld [smem:$0x3FAF]  }
0x2e: {  	s3 =	simm.s32 @!p0 $0x1082;
	s9 =	sld [smem:$0x3FB0]  }
0x2f: {  	lr =	sadd.s32 s0, s3;
	s0 =	sld [smem:$0x3FA7]  }
0x30: {  	s3 =	sld [smem:$0x3FAA]  }
0x31: {  	[smem:$0x3FB3] =	sst s10  }
0x32: {  	s10 =	sld [smem:$0x3FB1];
	_ =	sdelay $0x3  }
0x33: {  	p0 =	seq.s32 s10, $0x1;
	s10 =	sld [smem:$0x3FB3];
	_ =	sdelay $0x3  }
0x34: {  	[smem:$0x3FB3] =	sst s10  }
0x35: {  	s10 =	sld [smem:$0x3FB2];
	_ =	sdelay $0x3  }
0x36: {  	p1 =	seq.s32 s10, $0x1;
	s10 =	sld [smem:$0x3FB3];
	_ =	sdelay $0x3  }
0x37: {  	[smem:$0x3FB3] =	sst s10  }
0x38: {  	s10 =	sld [smem:$0x3FB4]  }
0x39: {  	_ = 	snop;
	(pc) =	sbr.ind lr, $3  }
0x3a: {  	_ = 	snop  }
0x3b: {  	_ = 	snop  }
0x3c: {  	p2 =	seq.s32 s10, $0x1;
	s10 =	sld [smem:$0x3FB3]  }
0x3d: {  	_ =	shalt  }
0x3e: {  	_ =	shalt  }
0x3f: {  	_ =	shalt  }
0x40: {  	_ =	shalt  }
0x41: {  	_ =	shalt  }
0x42: {  	_ =	shalt  }
0x43: {  	_ =	shalt  }
0x44: {  	_ =	shalt  }
0x45: {  	_ =	shalt  }
0x46: {  	_ =	shalt  }
0x47: {  	_ =	shalt  }
0x48: {  	_ =	shalt  }
0x49: {  	_ =	shalt  }
0x4a: {  	_ =	shalt  }
0x4b: {  	_ =	shalt  }
0x4c: {  	_ =	shalt  }
0x4d: {  	_ =	shalt  }
0x4e: {  	_ =	shalt  }
0x4f: {  	_ =	shalt  }
0x50: {  	_ =	shalt  }
0x51: {  	_ =	shalt  }
0x52: {  	_ =	shalt  }
0x53: {  	_ =	shalt  }
0x54: {  	_ =	shalt  }
0x55: {  	_ =	shalt  }
0x56: {  	_ =	shalt  }
0x57: {  	_ =	shalt  }
0x58: {  	_ =	shalt  }
0x59: {  	_ =	shalt  }
0x5a: {  	_ =	shalt  }
0x5b: {  	_ =	shalt  }
0x5c: {  	_ =	shalt  }
0x5d: {  	_ =	shalt  }
0x5e: {  	_ =	shalt  }
0x5f: {  	_ =	shalt  }
0x60: {  	_ =	shalt  }
0x61: {  	_ =	shalt  }
0x62: {  	_ =	shalt  }
0x63: {  	_ =	shalt  }
0x64: {  	_ =	shalt  }
0x65: {  	_ =	shalt  }
0x66: {  	_ =	shalt  }
0x67: {  	_ =	shalt  }
0x68: {  	_ =	shalt  }
0x69: {  	_ =	shalt  }
0x6a: {  	_ =	shalt  }
0x6b: {  	_ =	shalt  }
0x6c: {  	_ =	shalt  }
0x6d: {  	_ =	shalt  }
0x6e: {  	_ =	shalt  }
0x6f: {  	_ =	shalt  }
0x70: {  	_ =	shalt  }
0x71: {  	_ =	shalt  }
0x72: {  	_ =	shalt  }
0x73: {  	_ =	shalt  }
0x74: {  	_ =	shalt  }
0x75: {  	_ =	shalt  }
0x76: {  	_ =	shalt  }
0x77: {  	_ =	shalt  }
0x78: {  	_ =	shalt  }
0x79: {  	_ =	shalt  }
0x7a: {  	_ =	shalt  }
0x7b: {  	_ =	shalt  }
0x7c: {  	_ =	shalt  }
0x7d: {  	_ =	shalt  }
0x7e: {  	_ =	shalt  }
0x7f: {  	_ =	shalt  }
0x80: {  	_ =	shalt  }
0x81: {  	_ =	shalt  }
0x82: {  	_ =	shalt  }
0x83: {  	_ =	shalt  }
0x84: {  	_ =	shalt  }
0x85: {  	_ =	shalt  }
0x86: {  	_ =	shalt  }
0x87: {  	_ =	shalt  }
.Lfunc_end0:
.L_simem_size_0:
called_computation_lowered:
.L_overlay_start_0:
0x88: {  	s2 =	sld [smem:$0x3FD9]  }
0x89: {  	s3 =	sld [smem:$0x3FFE];
	_ =	sdelay $0x1  }
0x8a: {  	s1 =	srdreg.scid  }
0x8b: {  	s0 =	sand.u32 $0x1, s1  }
0x8c: {  	s17 =	sshll.u32 s0, $0xA;
	s2 =	sadd.s32 s3, s2  }
0x8d: {  	s2 =	sadd.s32 s2, s17  }
0x8e: {  	[smem:$0x3FBF] =	sst s2  }
0x8f: {  	_ = 	snop  }
0x90: {  	s2 =	sld [smem:$0x3FC7]  }
0x91: {  	s18 =	sld [smem:$0x3FD0];
	(tm) =	ssettm $0x1  }
0x92: {  	s4 =	sld [smem:$0x3FFB];
	_ =	sdelay $0x3  }
0x93: {  	_ =	strace s4  }
0x94: {  	s4 =	sld [smem:$0x3FFC];
	_ =	sdelay $0x3  }
0x95: {  	_ =	strace s4  }
0x96: {  	s4 =	sld [smem:$0x3FFD];
	_ =	sdelay $0x3  }
0x97: {  	_ =	strace s4  }
0x98: {  	_ =	strace $0x8FFFFFFF  }
0x99: {  	s19 =	sld [smem:$0x3FDB];
	_ =	sdelay $0x1  }
0x9a: {  	s5 =	simm.s32 $_scs_section_size  }
0x9b: {  	s6 =	simm.s32 $_size__tile_overlayer_lowered;
	s7 =	simm.s32 $_tile_overlayer_lowered  }
0x9c: {  	s22 =	simm.s32 $0x1BFF;
	s21 =	sshll.u32 s7, $0x1;
	s4 =	sadd.s32 s5, s19  }
0x9d: {  	s8 =	simm.s32 $0x0;
	s20 =	sshll.u32 s6, $0x1;
	s6 =	sadd.s32 s21, s4  }
0x9e: {  	[timem:s8], [sflag:s22] =	dma.local [hbm:s6], s20  }
0x9f: {  	_ =	swait.ge [sflag:s22], s20  }
0xa0: {  	s5 =	ssub.s32 $0x0, s20;
	[sflag:s22] =	ssyncset.done $0x0  }
0xa1: {  	[sflag:s22] =	ssyncadd.s32 s5;
	_ =	sdelay $0x1  }
0xa2: {  	s23 =	simm.s32 $0x1B8B  }
0xa3: {  	_ =	swait.ge [sflag:s23], $0x1  }
0xa4: {  	[sflag:s23] =	ssyncset.done $0x0  }
0xa5: {  	s25 =	simm.s32 $0x1B8E;
	s24 =	sld [smem:$0x3FFE];
	[sflag:s23] =	ssyncadd.s32 $0xFFFFFFFF  }
0xa6: {  	s26 =	simm.s32 $execute0_lowered;
	[smem:$0x3FD2] =	sst s25  }
0xa7: {  	s6 =	sshll.u32 s26, $0x1;
	_ =	strace $0x80000046;
	[dreg:$0x1] =	wrdreg $0xFFFFFFFF  }
0xa8: {  	s28 =	simm.s32 $_size_execute0_lowered;
	s4 =	sadd.s32 s4, s6;
	[dreg:$0x0] =	wrdreg $0x0  }
0xa9: {  	s6 =	sshll.u32 s28, $0x1;
	[dreg:$0x2] =	wrdreg s4  }
0xaa: {  	[dreg:$0x3] =	wrdreg s6  }
0xab: {  	[dreg:$0x4] =	wrdreg $0xC0  }
0xac: {  	_ =	task [dreg:s8], $0x5FFFF  }
0xad: {  	[dreg:$0x1] =	wrdreg $0xFFFFFFFF  }
0xae: {  	[dreg:$0x0] =	wrdreg $0x60  }
0xaf: {  	[dreg:$0x2] =	wrdreg s24  }
0xb0: {  	[dreg:$0x3] =	wrdreg s2  }
0xb1: {  	[dreg:$0x4] =	wrdreg s18  }
0xb2: {  	[dreg:$0x5] =	wrdreg $0x0  }
0xb3: {  	[dreg:$0x6] =	wrdreg $0x9  }
0xb4: {  	_ =	task.clear_ibuf [dreg:s8], $0x7FFFF;
	_ =	strace $0x90000046  }
0xb5: {  	s29 =	simm.s32 $0x9;
	_ =	strace $0x80000048  }
0xb6: {  	_ =	swait.ge [sflag:s29], $0x1  }
0xb7: {  	[sflag:s29] =	ssyncadd.s32 $0xFFFFFFFF  }
0xb8: {  	_ =	strace $0x90000048  }
0xb9: {  	_ =	sfence  }
0xba: {  	s30 =	sld [smem:$0x0];
	_ =	sdelay $0x2  }
0xbb: {  	s31 =	sshll.u32 s1, $0xD;
	s1 =	sshrl.u32 s1, $0x2  }
0xbc: {  	s3 =	sand.u32 $0x4000, s31;
	s1 =	sadd.s32 s1, s30  }
0xbd: {  	s0 =	sor.u32 s3, s0;
	s1 =	sshll.u32 s1, $0x11  }
0xbe: {  	s0 =	sor.u32 s1, s0  }
0xbf: {  	s0 =	sadd.s32 $0x8F2B, s0  }
0xc0: {  	[sflag:s0] =	ssyncadd.remote.s32 $0x1  }
0xc1: {  	_ =	sfence.sel $0xFFFF  }
0xc2: {  	[dreg:$0x0] =	wrdreg $0xFFFFFFFF;
	(pc) =	sbr.abs _section_cstart, $3  }
0xc3: {  	[dreg:$0x1] =	wrdreg $0xFFFFFFFF  }
0xc4: {  	_ =	task.clear_ibuf [dreg:s8], $0x2FFFF;
	_ =	strace $0x9FFFFFFF  }
0xc5: {  	(tm) =	ssettm $0x7FFFFFFF  }
tec
execute0_lowered:
.L_overlay_start_1:
0x0: {  	(tag) =	ssettag $0x1  }
0x1: {  	s3 =	rddreg [dreg:$0x0]  }
0x2: {  	s8 =	rddreg [dreg:$0x1]  }
0x3: {  	s14 =	rddreg [dreg:$0x2]  }
0x4: {  	s1 =	rddreg [dreg:$0x3];
	s4 =	srdreg.scid  }
0x5: {  	s0 =	rddreg [dreg:$0x4];
	s2 =	simm.s32 $0x0;
	s17 =	simm.s32 $0x1  }
0x6: {  	s18 =	simm.s32 $0x9;
	s19 =	simm.s32 $0x2;
	s20 =	simm.s32 $0x80  }
0x7: {  	s21 =	simm.s32 $0x8000;
	s22 =	simm.s32 $0x8080;
	s23 =	simm.s32 $0x0  }
0x8: {  	s15 =	sand.u32 $0x1, s4;
	[smem:$0x7FF] =	sst s2;
	s6 =	sadd.s32 $0x1200, s3  }
0x9: {  	s3 =	stileid.u32;
	s4 =	ssub.s32 $0x2, s15;
	_ =	strace $0x80000047  }
0xa: {  	p0 =	seq.s32 s15, $0x0;
	s28 =	smul.u32 $0x3F80, s3;
	s7 =	sshll.u32 s3, $0x8  }
0xb: {  	s9 =	smul.u32 $0x4080, s3;
	s29 =	sshll.u32 s3, $0xC;
	s5 =	sshrl.u32 s4, $0x1  }
0xc: {  	s31 =	sshll.u32 s3, $0xF;
	s10 =	sor.u32 $0x80, s7;
	s12 =	ssub.s32 s4, s5  }
0xd: {  	s4 =	simm.s32 $0x81;
	s16 =	sadd.s32 $0x40800, s28;
	s7 =	sshll.u32 s10, $0x4  }
0xe: {  	s5 =	sadd.s32 s6, s29;
	s10 =	sshll.u32 s10, $0x7;
	s4 =	simm.s32 @!p0 $0x7F  }
0xf: {  	s6 =	sadd.s32 s6, s7;
	s30 =	sshrl.u32 s16, $0x3;
	s16 =	smov.u32 @p0 s9  }
0x10: {  	s9 =	sshrl.u32 s9, $0x3;
	s10 =	sadd.s32 s10, s1;
	s12 =	smax.u32 s12, $0x1  }
0x11: {  	s7 =	sadd.s32 s8, s30;
	s8 =	sadd.s32 s8, s9;
	s9 =	sadd.s32 s31, s1  }
.Ltmp0:
0x12: {  	s11 =	sand.u32 $0x3, s4;
	s13 =	sadd.s32 $0xFFFFFFFF, s4;
	(pc) =	sbr.rel .LBB2_1-.Ltmp0, $4  }
0x13: {  	s16 =	sshll.u32 s16, $0x4;
	p0 =	seq.s32 s11, $0x1;
	s11 =	simm.s32 $0x8  }
0x14: {  	s13 =	sand.u32 $0x2, s13;
	s14 =	sadd.s32 s16, s14;
	s16 =	simm.s32 $0x10080  }
0x15: {  	s11 =	simm.s32 @!p0 $0x6;
	p0 =	seq.s32 s13, $0x0;
	s13 =	simm.s32 $0x5  }
0x16: {  	s13 =	simm.s32 @!p0 $0x7;
	p0 =	sne.s32 s15, $0x0;
	s15 =	simm.s32 $0xC080  }
.LBB2_5:
0x17: {  	s23 =	sadd.s32 $0x1, s23  }
0x18: {  	_ =	swait.ge [sflag:s11], $0x4000;
	p1 =	sne.s32 s23, s12  }
.Ltmp1:
0x19: {  	[sflag:s11] =	ssyncset.done $0x0;
	(pc) =	sbr.rel @!p1 .LBB2_6-.Ltmp1, $4  }
0x1a: {  	[sflag:s11] =	ssyncadd.s32 $0xFFFFC000  }
0x1b: {  	_ =	swait.ge [sflag:s13], $0x4000  }
0x1c: {  	[sflag:s13] =	ssyncset.done $0x0  }
0x1d: {  	[sflag:s13] =	ssyncadd.s32 $0xFFFFC000  }
.LBB2_1:
0x1e: {  	[tilespmem:s15], [sflag:$0x1] =	stream.linear.gather [hbm4b:s5+s2], $0x4000, $0x38;
	[tilespmem:$0x1C080] =	vst v63  }
0x1f: {  	_ = 	snop  }
0x20: {  	[tilespmem:s16], [sflag:$0x2] =	stream.linear.gather [hbm4b:s6+s2], $0x4000, $0x38;
	[tilespmem:$0x1C080] =	vst v63  }
0x21: {  	s24 =	simm.s32 @p0 $0x0;
	s25 =	simm.s32 @p0 $0x8000  }
0x22: {  	[tilespmem:s25], [sflag:$0x9] =	stream.linear.gather @p0 [hbm4b:s7+s24], $0x3F80, $0x38;
	[tilespmem:$0x1C080] =	vst v63  }
0x23: {  	s24 =	simm.s32 @p0 $0x9  }
0x24: {  	_ =	swait.ge @p0 [sflag:s24], $0x3F80  }
0x25: {  	[sflag:s24] =	ssyncset.done @p0 $0x0  }
0x26: {  	s25 =	simm.s32 @!p0 $0x8000;
	[sflag:s24] =	ssyncadd.s32 @p0 $0xFFFFC080;
	s24 =	simm.s32 @!p0 $0x0  }
0x27: {  	[tilespmem:s25], [sflag:$0x9] =	stream.linear.gather @!p0 [hbm4b:s8+s24], $0x4080, $0x38;
	[tilespmem:$0x1C080] =	vst v63  }
0x28: {  	s24 =	simm.s32 @!p0 $0x9  }
0x29: {  	_ =	swait.ge @!p0 [sflag:s24], $0x4080  }
0x2a: {  	[sflag:s24] =	ssyncset.done @!p0 $0x0  }
0x2b: {  	[sflag:s24] =	ssyncadd.s32 @!p0 $0xFFFFBF80  }
0x2c: {  	_ =	swait.ge [sflag:s17], $0x4000  }
0x2d: {  	[sflag:s17] =	ssyncset.done $0x0  }
0x2e: {  	[sflag:s17] =	ssyncadd.s32 $0xFFFFC000  }
0x2f: {  	[spmem:s9] =	stream.linear.scatter [tilespmem:s15], [sflag:$0x9], $0x4000, $0x38;
	[tilespmem:$0x1C080] =	vst v63  }
0x30: {  	_ =	swait.ge [sflag:s18], $0x4000  }
0x31: {  	[sflag:s18] =	ssyncset.done $0x0  }
0x32: {  	[sflag:s18] =	ssyncadd.s32 $0xFFFFC000  }
0x33: {  	_ =	swait.ge [sflag:s19], $0x4000  }
0x34: {  	[sflag:s19] =	ssyncset.done $0x0  }
0x35: {  	[sflag:s19] =	ssyncadd.s32 $0xFFFFC000  }
0x36: {  	[spmem:s10] =	stream.linear.scatter [tilespmem:s16], [sflag:$0x9], $0x4000, $0x38;
	[tilespmem:$0x1C080] =	vst v63  }
0x37: {  	_ =	swait.ge [sflag:s18], $0x4000  }
0x38: {  	[sflag:s18] =	ssyncset.done $0x0  }
.Ltmp2:
0x39: {  	[sflag:s18] =	ssyncadd.s32 $0xFFFFC000;
	(pc) =	sbr.rel .LBB2_2-.Ltmp2, $4  }
0x3a: {  	[bflag:$0x0] =	sbarrier.arrive $0xFFFF  }
0x3b: {  	[tilespmem:s15], [sflag:$0x1] =	stream.indirect.gather [spmem:s1], $0x80, s21, s20, $0xb8;
	[tilespmem:$0x1C080] =	vst v63  }
0x3c: {  	s28 =	simm.s32 $0x0;
	s25 =	smov.u32 s14;
	s24 =	simm.s32 $0x8100  }
0x3d: {  	[tilespmem:s16], [sflag:$0x2] =	stream.indirect.gather [spmem:s1], $0x80, s22, s20, $0xb8;
	[tilespmem:$0x1C080] =	vst v63  }
.LBB2_4:
0x3e: {  	s28 =	sadd.s32 $0x2, s28  }
0x3f: {  	p2 =	sge.u32 s28, s4  }
0x40: {  	s29 =	sand.u32 @!p2 $0x3, s28  }
0x41: {  	p3 =	sgt.s32 @!p2 s29, $0x1  }
0x42: {  	p4 =	por !p3, p2  }
0x43: {  	p4 =	seq.s32 @!p4 s29, $0x2  }
0x44: {  	p5 =	por @!p2 !p4, !p3  }
0x45: {  	p4 =	por @!p2 p4, !p3;
	p5 =	por p5, p2  }
0x46: {  	p4 =	por p4, p2;
	s30 =	simm.s32 @!p5 $0x80;
	s31 =	simm.s32 @!p5 $0x14080  }
0x47: {  	[tilespmem:s31], [sflag:$0x3] =	stream.indirect.gather @!p5 [spmem:s1], $0x80, s24, s30, $0xb8;
	[tilespmem:$0x1C080] =	vst v63  }
0x48: {  	s30 =	simm.s32 @!p4 $0x80;
	s31 =	simm.s32 @!p4 $0x18080  }
0x49: {  	[tilespmem:s31], [sflag:$0x4] =	stream.indirect.gather @!p4 [spmem:s1], $0x80, s24, s30, $0xb8;
	[tilespmem:$0x1C080] =	vst v63  }
0x4a: {  	p4 =	por p3, p2  }
0x4b: {  	p4 =	seq.s32 @!p4 s29, $0x0  }
0x4c: {  	p5 =	por @!p2 !p4, p3  }
0x4d: {  	p3 =	por @!p2 p4, p3;
	p5 =	por p5, p2  }
0x4e: {  	p2 =	por p3, p2;
	s29 =	simm.s32 @!p5 $0x80;
	s30 =	simm.s32 @!p5 $0xC080  }
0x4f: {  	[tilespmem:s30], [sflag:$0x1] =	stream.indirect.gather @!p5 [spmem:s1], $0x80, s24, s29, $0xb8;
	[tilespmem:$0x1C080] =	vst v63  }
0x50: {  	s29 =	simm.s32 @!p2 $0x80;
	s30 =	simm.s32 @!p2 $0x10080  }
0x51: {  	[tilespmem:s30], [sflag:$0x2] =	stream.indirect.gather @!p2 [spmem:s1], $0x80, s24, s29, $0xb8;
	[tilespmem:$0x1C080] =	vst v63  }
0x52: {  	p2 =	seq.s32 @p1 s26, $0x2  }
0x53: {  	p3 =	por !p2, !p1  }
0x54: {  	s29 =	simm.s32 @!p3 $0x3  }
0x55: {  	_ =	swait.ge @!p3 [sflag:s29], $0x4000  }
0x56: {  	p2 =	por p2, !p1;
	[sflag:s29] =	ssyncset.done @!p3 $0x0  }
0x57: {  	s30 =	simm.s32 @!p3 $0x14080;
	[sflag:s29] =	ssyncadd.s32 @!p3 $0xFFFFC000;
	s29 =	simm.s32 @!p3 $0x0  }
0x58: {  	[hbm4b:s25+s29] =	stream.linear.scatter @!p3 [tilespmem:s30], [sflag:$0x7], $0x4000, $0x38;
	[tilespmem:$0x1C080] =	vst v63  }
0x59: {  	s29 =	simm.s32 @!p2 $0x4  }
0x5a: {  	_ =	swait.ge @!p2 [sflag:s29], $0x4000  }
0x5b: {  	[sflag:s29] =	ssyncset.done @!p2 $0x0  }
0x5c: {  	s30 =	simm.s32 @!p2 $0x18080;
	[sflag:s29] =	ssyncadd.s32 @!p2 $0xFFFFC000;
	s29 =	simm.s32 @!p2 $0x0  }
0x5d: {  	[hbm4b:s25+s29] =	stream.linear.scatter @!p2 [tilespmem:s30], [sflag:$0x8], $0x4000, $0x38;
	[tilespmem:$0x1C080] =	vst v63  }
0x5e: {  	p2 =	seq.s32 @!p1 s26, $0x0  }
0x5f: {  	p3 =	por !p2, p1  }
0x60: {  	s26 =	simm.s32 @!p3 $0x1  }
0x61: {  	_ =	swait.ge @!p3 [sflag:s26], $0x4000  }
0x62: {  	p1 =	por p2, p1;
	[sflag:s26] =	ssyncset.done @!p3 $0x0  }
0x63: {  	s29 =	simm.s32 @!p3 $0xC080;
	[sflag:s26] =	ssyncadd.s32 @!p3 $0xFFFFC000;
	s26 =	simm.s32 @!p3 $0x0  }
0x64: {  	[hbm4b:s25+s26] =	stream.linear.scatter @!p3 [tilespmem:s29], [sflag:$0x5], $0x4000, $0x38;
	[tilespmem:$0x1C080] =	vst v63  }
0x65: {  	s26 =	simm.s32 @!p1 $0x2  }
0x66: {  	_ =	swait.ge @!p1 [sflag:s26], $0x4000  }
0x67: {  	s28 =	sadd.s32 $0xFFFFFFFF, s28;
	[sflag:s26] =	ssyncset.done @!p1 $0x0  }
0x68: {  	s29 =	simm.s32 @!p1 $0x10080;
	[sflag:s26] =	ssyncadd.s32 @!p1 $0xFFFFC000;
	s26 =	simm.s32 @!p1 $0x0  }
0x69: {  	[hbm4b:s25+s26] =	stream.linear.scatter @!p1 [tilespmem:s29], [sflag:$0x6], $0x4000, $0x38;
	[tilespmem:$0x1C080] =	vst v63  }
0x6a: {  	p1 =	sne.s32 s28, s4  }
.Ltmp3:
0x6b: {  	_ = 	snop;
	(pc) =	sbr.rel @!p1 .LBB2_5-.Ltmp3, $2  }
0x6c: {  	_ =	sdelay $0x2  }
0x6d: {  	s24 =	sadd.s32 $0x80, s24;
	s25 =	sadd.s32 $0x800, s25  }
.LBB2_2:
0x6e: {  	p2 =	slt.u32 s28, $0x2  }
.Ltmp4:
0x6f: {  	_ = 	snop;
	(pc) =	sbr.rel @p2 .LBB2_4-.Ltmp4, $3  }
0x70: {  	_ =	sdelay $0x1  }
0x71: {  	s26 =	sand.u32 $0x3, s28  }
0x72: {  	p1 =	sgt.s32 s26, $0x1  }
0x73: {  	p2 =	seq.s32 @!p1 s26, $0x0  }
0x74: {  	p3 =	seq.s32 @p1 s26, $0x2;
	p2 =	por !p2, p1  }
0x75: {  	s30 =	simm.s32 $0x5;
	p3 =	por !p3, !p1;
	s29 =	simm.s32 @!p2 $0x7  }
.Ltmp5:
0x76: {  	s30 =	simm.s32 @p3 $0x6;
	s29 =	simm.s32 @p2 $0x8;
	(pc) =	sbr.rel .LBB2_4-.Ltmp5, $4  }
0x77: {  	s29 =	smov.u32 @p1 s30  }
0x78: {  	_ =	swait.ge [sflag:s29], $0x4000  }
0x79: {  	[sflag:s29] =	ssyncset.done $0x0  }
0x7a: {  	[sflag:s29] =	ssyncadd.s32 $0xFFFFC000  }
.LBB2_6:
0x7b: {  	_ =	sfence.sel $0x180000  }
0x7c: {  	[bflag:$0x0] =	sbarrier.arrive $0xFFFF  }
0x7d: {  	p0 =	sne.s32 s3, $0x0;
	_ =	strace $0x90000047  }
0x7e: {  	s0 =	sadd.s32 @!p0 $0x100000, s0;
	[bflag:$0x2] =	sbarrier.arrive $0xFFFF  }
0x7f: {  	[sflag:s0] =	ssyncadd.tile.s32 @!p0 $0x1;
	_ =	shalt  }
.Lfunc_end2:
_tile_overlayer_lowered:
.L_overlay_start_2:
0x80: {  	(tag) =	ssettag $0x2  }
0x81: {  	s0 =	rddreg [dreg:$0x0];
	s2 =	stileid.u32  }
0x82: {  	s1 =	rddreg [dreg:$0x1];
	p0 =	sne.s32 s2, $0x0  }
0x83: {  	s3 =	rddreg [dreg:$0x2];
	[bflag:$0x3] =	sbarrier.arrive $0xFFFF;
	s2 =	simm.s32 @!p0 $0x1C09  }
0x84: {  	[timem:s3], [sflag:s2] =	dma.local @!p0 [hbm:s0], s1  }
0x85: {  	s0 =	simm.s32 @!p0 $0x9  }
0x86: {  	_ =	swait.ge @!p0 [sflag:s0], s1  }
0x87: {  	s1 =	ssub.s32 @!p0 $0x0, s1;
	[sflag:s0] =	ssyncset.done @!p0 $0x0  }
0x88: {  	[sflag:s0] =	ssyncadd.s32 @!p0 s1  }
0x89: {  	[bflag:$0x3] =	sbarrier.arrive $0xFFFF  }
0x8a: {  	_ =	shalt  }

</sc_bundles>
